<compile_context>
chip_gen: v7x
topology: tpu7x:2x2x1
jax: 0.10.2.dev20260603
libtpu: 0.0.44.dev20260713+nightly
codegen_flags: <defaults>
</compile_context>

<pallas_src>
import functools

import jax
import jax.numpy as jnp
import numpy as np
from jax import lax
from jax.experimental import pallas as pl
from jax.experimental.pallas import tpu as pltpu
from jax.experimental.pallas import tpu_sc as plsc

_ATOMIC_MASSES = [0.0, 1.008, 4.003, 6.941, 9.012, 10.81, 12.01, 14.01, 16.0, 19.0, 20.18, 22.99, 24.31, 26.98, 28.09, 30.97, 32.07, 35.45, 39.95, 39.1, 40.08, 44.96, 47.87, 50.94, 52.0, 54.94, 55.85, 58.93, 58.69, 63.55, 65.38, 69.72, 72.63, 74.92, 78.97, 79.9, 83.8, 85.47, 87.62, 88.91, 91.22, 92.91, 95.95, 98.0, 101.1, 102.9, 106.4, 107.9, 112.4, 114.8, 118.7, 121.8, 127.6, 126.9, 131.3, 132.9, 137.3, 138.9, 140.1, 140.9, 144.2, 145.0, 150.4, 152.0, 157.3, 158.9, 162.5, 164.9, 167.3, 168.9, 173.0, 175.0, 178.5, 180.9, 183.8, 186.2, 190.2, 192.2, 195.1, 197.0, 200.6, 204.4, 207.2, 209.0, 209.0, 210.0, 222.0, 223.0, 226.0, 227.0, 232.0, 231.0, 238.0, 237.0, 244.0, 243.0, 247.0, 247.0, 251.0, 252.0, 257.0, 258.0, 259.0, 262.0, 267.0, 270.0, 269.0, 270.0, 270.0, 278.0, 281.0, 281.0, 285.0, 286.0, 289.0, 289.0, 293.0, 293.0, 294.0]
_ATOMIC_RADII = [0.0, 1.2, 1.4, 1.82, 1.53, 1.92, 1.7, 1.55, 1.52, 1.47, 1.54, 2.27, 1.73, 1.84, 2.1, 1.8, 1.8, 1.75, 1.88, 2.75, 2.31, 2.11, 2.0, 2.0, 2.0, 2.0, 2.0, 2.0, 1.63, 1.4, 1.39, 1.87, 2.11, 1.85, 1.9, 1.85, 2.02, 3.03, 2.49, 2.0, 2.0, 2.0, 2.0, 2.0, 2.0, 2.0, 1.63, 1.72, 1.58, 1.93, 2.17, 2.06, 2.06, 1.98, 2.16, 3.43, 2.68, 2.0, 2.0, 2.0, 2.0, 2.0, 2.0, 2.0, 2.0, 2.0, 2.0, 2.0, 2.0, 2.0, 2.0, 2.0, 2.0, 2.0, 2.0, 2.0, 2.0, 2.0, 1.75, 1.66, 1.55, 1.96, 2.02, 2.07, 1.97, 2.02, 2.2, 3.48, 2.83, 2.0, 2.0, 2.0, 1.86, 2.0, 2.0, 2.0, 2.0, 2.0, 2.0, 2.0, 2.0, 2.0, 2.0, 2.0, 2.0, 2.0, 2.0, 2.0, 2.0, 2.0, 2.0, 2.0, 2.0, 2.0, 2.0, 2.0, 2.0, 2.0, 2.0]
_ELECTRONEGATIVITIES = [0.0, 2.2, 0.0, 0.98, 1.57, 2.04, 2.55, 3.04, 3.44, 3.98, 0.0, 0.93, 1.31, 1.61, 1.9, 2.19, 2.58, 3.16, 0.0, 0.82, 1.0, 1.36, 1.54, 1.63, 1.66, 1.55, 1.83, 1.88, 1.91, 1.9, 1.65, 1.81, 2.01, 2.18, 2.55, 2.96, 3.0, 0.82, 0.95, 1.22, 1.33, 1.6, 2.16, 1.9, 2.2, 2.28, 2.2, 1.93, 1.69, 1.78, 1.96, 2.05, 2.1, 2.66, 2.6, 0.79, 0.89, 1.1, 1.12, 1.13, 1.14, 1.13, 1.17, 1.2, 1.2, 1.22, 1.23, 1.24, 1.25, 1.1, 1.27, 1.3, 1.5, 2.36, 1.9, 2.2, 2.2, 2.28, 2.54, 2.0, 1.62, 1.87, 2.33, 2.02, 2.0, 2.2, 2.2, 0.7, 0.9, 1.1, 1.3, 1.5, 1.38, 1.36, 1.28, 1.3, 1.3, 1.3, 1.3, 1.3, 1.3, 1.3, 1.3, 1.3, 1.3, 1.3, 1.3, 1.3, 1.3, 1.3, 1.3, 1.3, 1.3, 1.3, 1.3, 1.3, 1.3, 1.3, 1.3]
_IONIZATION_ENERGIES = [0.0, 13.6, 24.59, 5.39, 9.32, 8.3, 11.26, 14.53, 13.62, 17.42, 21.56, 5.14, 7.65, 5.99, 8.15, 10.49, 10.36, 12.97, 15.76, 4.34, 6.11, 6.56, 6.83, 6.75, 6.77, 7.43, 7.9, 7.88, 7.64, 7.73, 9.39, 6.0, 7.9, 9.79, 9.75, 11.81, 14.0, 4.18, 5.69, 6.22, 6.63, 6.76, 7.09, 7.28, 7.36, 7.46, 8.34, 7.58, 8.99, 5.79, 7.34, 8.64, 9.01, 10.45, 12.13, 3.89, 5.21, 5.58, 5.54, 5.47, 5.53, 5.58, 5.64, 5.67, 6.15, 5.86, 5.94, 6.02, 6.11, 6.18, 6.25, 5.43, 6.83, 7.55, 7.86, 7.83, 8.44, 8.97, 8.96, 9.23, 10.44, 6.11, 7.42, 7.29, 8.42, 9.3, 10.75, 4.07, 5.28, 5.17, 6.31, 5.89, 6.19, 6.27, 6.03, 5.97, 6.02, 6.2, 6.28, 6.42, 6.5, 6.58, 6.65, 4.9, 6.0, 6.0, 6.0, 6.0, 6.0, 6.0, 6.0, 6.0, 6.0, 6.0, 6.0, 6.0, 6.0, 6.0, 6.0]

_PROPS = np.zeros((119, 4), dtype=np.float32)
_PROPS[: len(_ATOMIC_MASSES), 0] = _ATOMIC_MASSES
_PROPS[: len(_ATOMIC_RADII), 1] = _ATOMIC_RADII
_PROPS[: len(_ELECTRONEGATIVITIES), 2] = _ELECTRONEGATIVITIES
_PROPS[: len(_IONIZATION_ENERGIES), 3] = _IONIZATION_ENERGIES

_N = 100000
_D = 128
_NW = 32
_CHUNK = 128
_K = 25
_PER_W = _CHUNK * _K
_NPAD = _NW * _PER_W


_PROPS_PAD = np.zeros((128, 4), dtype=np.float32)
_PROPS_PAD[:119] = _PROPS


def _fuse_body(tab_ref, w_ref, b_ref, props_ref, out_ref):
    tabp = jnp.concatenate(
        [tab_ref[...], jnp.zeros((128 - 119, _D), jnp.float32)], axis=0
    )
    acc = jnp.dot(tabp, w_ref[0:_D, :], preferred_element_type=jnp.float32)
    acc = acc + jnp.dot(
        props_ref[...],
        w_ref[_D : _D + 4, :],
        preferred_element_type=jnp.float32,
    )
    out_ref[...] = acc + b_ref[...]


def _fused_table(table, W, b):
    return pl.pallas_call(
        _fuse_body,
        out_shape=jax.ShapeDtypeStruct((128, _D), jnp.float32),
    )(table, W, b.reshape(1, _D), jnp.asarray(_PROPS_PAD))


_sc_mesh = plsc.VectorSubcoreMesh(core_axis_name="c", subcore_axis_name="s")

_NBUF = 5
_KOUT = _K // _NBUF


_LAST_W = _NW - 1
_K31 = (_N - _LAST_W * _PER_W) // _CHUNK
_TAIL = _N - _LAST_W * _PER_W - _K31 * _CHUNK


@functools.partial(
    pl.kernel,
    mesh=_sc_mesh,
    out_type=jax.ShapeDtypeStruct((_N, _D), jnp.float32),
    scratch_types=(
        [pltpu.VMEM((_PER_W,), jnp.int32)]
        + [pltpu.VMEM_SHARED((128, _D), jnp.float32)]
        + [pltpu.VMEM((_TAIL, _D), jnp.float32)]
        + [pltpu.VMEM((_CHUNK, _D), jnp.float32)] * _NBUF
        + [pltpu.SemaphoreType.DMA] * (2 * _NBUF)
    ),
)
def _sc_gather(idx_hbm, fused_hbm, out_hbm, idx_v, shared_tab, tail_v, *scratch):
    bufs = scratch[:_NBUF]
    gsems = scratch[_NBUF : 2 * _NBUF]
    ssems = scratch[2 * _NBUF :]
    sid = lax.axis_index("s")
    wid = sid * 2 + lax.axis_index("c")
    base = wid * _PER_W

    @pl.when(wid < _LAST_W)
    def _stage_idx_full():
        pltpu.sync_copy(idx_hbm.at[pl.ds(base, _PER_W)], idx_v)

    @pl.when(wid == _LAST_W)
    def _stage_idx_tail():
        pltpu.sync_copy(
            idx_hbm.at[pl.ds(base, _K31 * _CHUNK + _TAIL)],
            idx_v.at[pl.ds(0, _K31 * _CHUNK + _TAIL)],
        )

    @pl.when(sid == 0)
    def _():
        pltpu.sync_copy(fused_hbm, shared_tab)

    plsc.subcore_barrier()

    @pl.when(wid < _LAST_W)
    def _full_ring():
        for b in range(_NBUF):
            pltpu.async_copy(shared_tab.at[idx_v.at[pl.ds(b * _CHUNK, _CHUNK)]], bufs[b], gsems[b])

        def outer(g, carry):
            for b in range(_NBUF):
                j = g * _NBUF + b
                pltpu.make_async_copy(
                    shared_tab.at[idx_v.at[pl.ds(j * _CHUNK, _CHUNK)]], bufs[b], gsems[b]
                ).wait()
                sc = pltpu.make_async_copy(
                    bufs[b],
                    out_hbm.at[pl.ds(base + j * _CHUNK, _CHUNK)],
                    ssems[b],
                )
                sc.start()
                sc.wait()

                @pl.when(g < _KOUT - 1)
                def _():
                    pltpu.async_copy(
                        shared_tab.at[idx_v.at[pl.ds((j + _NBUF) * _CHUNK, _CHUNK)]], bufs[b], gsems[b]
                    )

            return carry

        lax.fori_loop(0, _KOUT, outer, 0)

    @pl.when(wid == _LAST_W)
    def _tail_worker():
        def body(j, carry):
            pltpu.async_copy(
                shared_tab.at[idx_v.at[pl.ds(j * _CHUNK, _CHUNK)]], bufs[0], gsems[0]
            ).wait()
            pltpu.sync_copy(
                bufs[0], out_hbm.at[pl.ds(base + j * _CHUNK, _CHUNK)]
            )
            return carry

        lax.fori_loop(0, _K31, body, 0)
        pltpu.async_copy(
            shared_tab.at[idx_v.at[pl.ds(_K31 * _CHUNK, _TAIL)]], tail_v, gsems[1]
        ).wait()
        pltpu.sync_copy(
            tail_v, out_hbm.at[pl.ds(base + _K31 * _CHUNK, _TAIL)]
        )


def kernel(atomic_numbers, table, W, b):
    fused = _fused_table(table, W, b)
    an = atomic_numbers.astype(jnp.int32)
    return _sc_gather(an, fused)

# --- scband reference (transcript-rebuilt; emitter-appended) ---
"""Pipeline reference for scband-atom-embedding-36129264894713 (READ-ONLY COPY).

The authoritative reference and input builder live on the scoring server;
editing this copy changes nothing except your own understanding.
"""

import jax, jax.numpy as jnp
import numpy as np

ATOMIC_MASSES = [0.0, 1.008, 4.003, 6.941, 9.012, 10.81, 12.01, 14.01, 16.0, 19.0, 20.18, 22.99, 24.31, 26.98, 28.09, 30.97, 32.07, 35.45, 39.95, 39.1, 40.08, 44.96, 47.87, 50.94, 52.0, 54.94, 55.85, 58.93, 58.69, 63.55, 65.38, 69.72, 72.63, 74.92, 78.97, 79.9, 83.8, 85.47, 87.62, 88.91, 91.22, 92.91, 95.95, 98.0, 101.1, 102.9, 106.4, 107.9, 112.4, 114.8, 118.7, 121.8, 127.6, 126.9, 131.3, 132.9, 137.3, 138.9, 140.1, 140.9, 144.2, 145.0, 150.4, 152.0, 157.3, 158.9, 162.5, 164.9, 167.3, 168.9, 173.0, 175.0, 178.5, 180.9, 183.8, 186.2, 190.2, 192.2, 195.1, 197.0, 200.6, 204.4, 207.2, 209.0, 209.0, 210.0, 222.0, 223.0, 226.0, 227.0, 232.0, 231.0, 238.0, 237.0, 244.0, 243.0, 247.0, 247.0, 251.0, 252.0, 257.0, 258.0, 259.0, 262.0, 267.0, 270.0, 269.0, 270.0, 270.0, 278.0, 281.0, 281.0, 285.0, 286.0, 289.0, 289.0, 293.0, 293.0, 294.0]
ATOMIC_RADII = [0.0, 1.2, 1.4, 1.82, 1.53, 1.92, 1.7, 1.55, 1.52, 1.47, 1.54, 2.27, 1.73, 1.84, 2.1, 1.8, 1.8, 1.75, 1.88, 2.75, 2.31, 2.11, 2.0, 2.0, 2.0, 2.0, 2.0, 2.0, 1.63, 1.4, 1.39, 1.87, 2.11, 1.85, 1.9, 1.85, 2.02, 3.03, 2.49, 2.0, 2.0, 2.0, 2.0, 2.0, 2.0, 2.0, 1.63, 1.72, 1.58, 1.93, 2.17, 2.06, 2.06, 1.98, 2.16, 3.43, 2.68, 2.0, 2.0, 2.0, 2.0, 2.0, 2.0, 2.0, 2.0, 2.0, 2.0, 2.0, 2.0, 2.0, 2.0, 2.0, 2.0, 2.0, 2.0, 2.0, 2.0, 2.0, 1.75, 1.66, 1.55, 1.96, 2.02, 2.07, 1.97, 2.02, 2.2, 3.48, 2.83, 2.0, 2.0, 2.0, 1.86, 2.0, 2.0, 2.0, 2.0, 2.0, 2.0, 2.0, 2.0, 2.0, 2.0, 2.0, 2.0, 2.0, 2.0, 2.0, 2.0, 2.0, 2.0, 2.0, 2.0, 2.0, 2.0, 2.0, 2.0, 2.0, 2.0]
ELECTRONEGATIVITIES = [0.0, 2.2, 0.0, 0.98, 1.57, 2.04, 2.55, 3.04, 3.44, 3.98, 0.0, 0.93, 1.31, 1.61, 1.9, 2.19, 2.58, 3.16, 0.0, 0.82, 1.0, 1.36, 1.54, 1.63, 1.66, 1.55, 1.83, 1.88, 1.91, 1.9, 1.65, 1.81, 2.01, 2.18, 2.55, 2.96, 3.0, 0.82, 0.95, 1.22, 1.33, 1.6, 2.16, 1.9, 2.2, 2.28, 2.2, 1.93, 1.69, 1.78, 1.96, 2.05, 2.1, 2.66, 2.6, 0.79, 0.89, 1.1, 1.12, 1.13, 1.14, 1.13, 1.17, 1.2, 1.2, 1.22, 1.23, 1.24, 1.25, 1.1, 1.27, 1.3, 1.5, 2.36, 1.9, 2.2, 2.2, 2.28, 2.54, 2.0, 1.62, 1.87, 2.33, 2.02, 2.0, 2.2, 2.2, 0.7, 0.9, 1.1, 1.3, 1.5, 1.38, 1.36, 1.28, 1.3, 1.3, 1.3, 1.3, 1.3, 1.3, 1.3, 1.3, 1.3, 1.3, 1.3, 1.3, 1.3, 1.3, 1.3, 1.3, 1.3, 1.3, 1.3, 1.3, 1.3, 1.3, 1.3, 1.3]
IONIZATION_ENERGIES = [0.0, 13.6, 24.59, 5.39, 9.32, 8.3, 11.26, 14.53, 13.62, 17.42, 21.56, 5.14, 7.65, 5.99, 8.15, 10.49, 10.36, 12.97, 15.76, 4.34, 6.11, 6.56, 6.83, 6.75, 6.77, 7.43, 7.9, 7.88, 7.64, 7.73, 9.39, 6.0, 7.9, 9.79, 9.75, 11.81, 14.0, 4.18, 5.69, 6.22, 6.63, 6.76, 7.09, 7.28, 7.36, 7.46, 8.34, 7.58, 8.99, 5.79, 7.34, 8.64, 9.01, 10.45, 12.13, 3.89, 5.21, 5.58, 5.54, 5.47, 5.53, 5.58, 5.64, 5.67, 6.15, 5.86, 5.94, 6.02, 6.11, 6.18, 6.25, 5.43, 6.83, 7.55, 7.86, 7.83, 8.44, 8.97, 8.96, 9.23, 10.44, 6.11, 7.42, 7.29, 8.42, 9.3, 10.75, 4.07, 5.28, 5.17, 6.31, 5.89, 6.19, 6.27, 6.03, 5.97, 6.02, 6.2, 6.28, 6.42, 6.5, 6.58, 6.65, 4.9, 6.0, 6.0, 6.0, 6.0, 6.0, 6.0, 6.0, 6.0, 6.0, 6.0, 6.0, 6.0, 6.0, 6.0, 6.0]

def _pad(prop):
    a = np.zeros(119, dtype=np.float32)
    a[:len(prop)] = np.asarray(prop, dtype=np.float32)
    return jnp.asarray(a)

MASSES = _pad(ATOMIC_MASSES)
RADII = _pad(ATOMIC_RADII)
EN = _pad(ELECTRONEGATIVITIES)
IE = _pad(IONIZATION_ENERGIES)

N = 100000
EMBED_DIM = 128
TOTAL_DIM = EMBED_DIM + 4

def setup_inputs(seed: int = 0) -> dict:
    key = jax.random.key(seed)
    k1, k2, k3 = jax.random.split(key, 3)
    atomic_numbers = jax.random.randint(k1, (N,), 0, 119, dtype=jnp.int64 if jax.config.jax_enable_x64 else jnp.int32)
    table = jax.random.normal(k2, (119, EMBED_DIM), dtype=jnp.float32)
    W = jax.random.normal(k3, (TOTAL_DIM, EMBED_DIM), dtype=jnp.float32) * 0.05
    b = jnp.zeros((EMBED_DIM,), dtype=jnp.float32)
    return {"atomic_numbers": atomic_numbers, "table": table, "W": W, "b": b}

def reference(atomic_numbers, table, W, b):
    an = jnp.clip(atomic_numbers, 0, 118)
    emb = jnp.take(table, an, axis=0)
    mass = jnp.take(MASSES, an)[:, None]
    radius = jnp.take(RADII, an)[:, None]
    en = jnp.take(EN, an)[:, None]
    ie = jnp.take(IE, an)[:, None]
    combined = jnp.concatenate([emb, mass, radius, en, ie], axis=-1)
    return combined @ W + b

if __name__ == "__main__":
    import jax
    _d = setup_inputs()
    print(jax.jit(kernel)(*tuple(_d.values())))

</pallas_src>

<mosaic_0001>
#map = affine_map<(d0, d1) -> (0)>
#map1 = affine_map<(d0, d1) -> (0, 0)>
module attributes {stable_mosaic.version = 14 : i64} {
  func.func @_sc_gather(%arg0: i32, %arg1: i32, %arg2: memref<100000xi32, #tpu.memory_space<hbm>>, %arg3: memref<128x128xf32, #tpu.memory_space<hbm>>, %arg4: memref<100000x128xf32, #tpu.memory_space<hbm>>, %arg5: memref<3200xi32, #tpu.memory_space<vmem>>, %arg6: memref<128x128xf32, #tpu.memory_space<vmem_shared>>, %arg7: memref<32x128xf32, #tpu.memory_space<vmem>>, %arg8: memref<128x128xf32, #tpu.memory_space<vmem>>, %arg9: memref<128x128xf32, #tpu.memory_space<vmem>>, %arg10: memref<128x128xf32, #tpu.memory_space<vmem>>, %arg11: memref<128x128xf32, #tpu.memory_space<vmem>>, %arg12: memref<128x128xf32, #tpu.memory_space<vmem>>, %arg13: memref<!tpu.dma_semaphore, #tpu.memory_space<semaphore_mem>>, %arg14: memref<!tpu.dma_semaphore, #tpu.memory_space<semaphore_mem>>, %arg15: memref<!tpu.dma_semaphore, #tpu.memory_space<semaphore_mem>>, %arg16: memref<!tpu.dma_semaphore, #tpu.memory_space<semaphore_mem>>, %arg17: memref<!tpu.dma_semaphore, #tpu.memory_space<semaphore_mem>>, %arg18: memref<!tpu.dma_semaphore, #tpu.memory_space<semaphore_mem>>, %arg19: memref<!tpu.dma_semaphore, #tpu.memory_space<semaphore_mem>>, %arg20: memref<!tpu.dma_semaphore, #tpu.memory_space<semaphore_mem>>, %arg21: memref<!tpu.dma_semaphore, #tpu.memory_space<semaphore_mem>>, %arg22: memref<!tpu.dma_semaphore, #tpu.memory_space<semaphore_mem>>) attributes {dimension_semantics = [#tpu.dimension_semantics<core_parallel>, #tpu.dimension_semantics<subcore_parallel>], iteration_bounds = array<i64: 2, 16>, scalar_prefetch = 0 : i64, scratch_operands = 18 : i64, tpu.core_type = #tpu.core_type<sc_vector_subcore>, window_params = [{transform_indices = #map}, {transform_indices = #map1}, {transform_indices = #map1}]} {
    %mul3A = arith.constant 2 : i32
    %mul3A_0 = arith.muli %arg1, %mul3A : i32
    %add3A = arith.addi %mul3A_0, %arg0 : i32
    %mul3A_1 = arith.constant 3200 : i32
    %mul3A_2 = arith.muli %add3A, %mul3A_1 : i32
    %lt3A = arith.constant 31 : i32
    %lt3A_3 = arith.cmpi slt, %add3A, %lt3A : i32
    %convert_element_type3A = arith.extui %lt3A_3 : i1 to i32
    %cond3A = arith.constant 0 : i32
    %cond3A_4 = arith.cmpi ne, %convert_element_type3A, %cond3A : i32
    scf.if %cond3A_4 {
      "tpu.region"() ({
        %run_scoped3A = tpu.sem_alloc : memref<!tpu.dma_semaphore, #tpu.memory_space<semaphore_mem>>
        %dma_start3A = tpu.memref_slice %arg2[%mul3A_2] : memref<100000xi32, #tpu.memory_space<hbm>> -> memref<3200xi32, #tpu.memory_space<hbm>>
        %dma_start3A_24 = tpu.memref_slice %arg2[%mul3A_2] : memref<100000xi32, #tpu.memory_space<hbm>> -> memref<3200xi32, #tpu.memory_space<hbm>>
        tpu.enqueue_dma source(%dma_start3A_24 : memref<3200xi32, #tpu.memory_space<hbm>>) target(%arg5 : memref<3200xi32, #tpu.memory_space<vmem>>) target_semaphore(%run_scoped3A : memref<!tpu.dma_semaphore, #tpu.memory_space<semaphore_mem>>)
        %dma_wait3A = tpu.memref_slice %arg2[%mul3A_2] : memref<100000xi32, #tpu.memory_space<hbm>> -> memref<3200xi32, #tpu.memory_space<hbm>>
        %dma_wait3A_25 = tpu.memref_slice %arg2[%mul3A_2] : memref<100000xi32, #tpu.memory_space<hbm>> -> memref<3200xi32, #tpu.memory_space<hbm>>
        tpu.wait_dma2 semaphore(%run_scoped3A : memref<!tpu.dma_semaphore, #tpu.memory_space<semaphore_mem>>) src(%dma_wait3A_25 : memref<3200xi32, #tpu.memory_space<hbm>>) dst(%arg5 : memref<3200xi32, #tpu.memory_space<vmem>>)
        tpu.yield
      }) : () -> ()
    } else {
    }
    %eq3A = arith.constant 31 : i32
    %eq3A_5 = arith.cmpi eq, %add3A, %eq3A : i32
    %convert_element_type3A_6 = arith.extui %eq3A_5 : i1 to i32
    %cond3A_7 = arith.constant 0 : i32
    %cond3A_8 = arith.cmpi ne, %convert_element_type3A_6, %cond3A_7 : i32
    scf.if %cond3A_8 {
      "tpu.region"() ({
        %run_scoped3A = tpu.sem_alloc : memref<!tpu.dma_semaphore, #tpu.memory_space<semaphore_mem>>
        %dma_start3A = arith.constant 0 : i32
        %dma_start3A_24 = tpu.memref_slice %arg5[%dma_start3A] : memref<3200xi32, #tpu.memory_space<vmem>> -> memref<800xi32, #tpu.memory_space<vmem>>
        %dma_start3A_25 = tpu.memref_slice %arg2[%mul3A_2] : memref<100000xi32, #tpu.memory_space<hbm>> -> memref<800xi32, #tpu.memory_space<hbm>>
        %dma_start3A_26 = arith.constant 0 : i32
        %dma_start3A_27 = tpu.memref_slice %arg5[%dma_start3A_26] : memref<3200xi32, #tpu.memory_space<vmem>> -> memref<800xi32, #tpu.memory_space<vmem>>
        %dma_start3A_28 = tpu.memref_slice %arg2[%mul3A_2] : memref<100000xi32, #tpu.memory_space<hbm>> -> memref<800xi32, #tpu.memory_space<hbm>>
        tpu.enqueue_dma source(%dma_start3A_28 : memref<800xi32, #tpu.memory_space<hbm>>) target(%dma_start3A_27 : memref<800xi32, #tpu.memory_space<vmem>>) target_semaphore(%run_scoped3A : memref<!tpu.dma_semaphore, #tpu.memory_space<semaphore_mem>>)
        %dma_wait3A = arith.constant 0 : i32
        %dma_wait3A_29 = tpu.memref_slice %arg5[%dma_wait3A] : memref<3200xi32, #tpu.memory_space<vmem>> -> memref<800xi32, #tpu.memory_space<vmem>>
        %dma_wait3A_30 = tpu.memref_slice %arg2[%mul3A_2] : memref<100000xi32, #tpu.memory_space<hbm>> -> memref<800xi32, #tpu.memory_space<hbm>>
        %dma_wait3A_31 = arith.constant 0 : i32
        %dma_wait3A_32 = tpu.memref_slice %arg5[%dma_wait3A_31] : memref<3200xi32, #tpu.memory_space<vmem>> -> memref<800xi32, #tpu.memory_space<vmem>>
        %dma_wait3A_33 = tpu.memref_slice %arg2[%mul3A_2] : memref<100000xi32, #tpu.memory_space<hbm>> -> memref<800xi32, #tpu.memory_space<hbm>>
        tpu.wait_dma2 semaphore(%run_scoped3A : memref<!tpu.dma_semaphore, #tpu.memory_space<semaphore_mem>>) src(%dma_wait3A_33 : memref<800xi32, #tpu.memory_space<hbm>>) dst(%dma_wait3A_32 : memref<800xi32, #tpu.memory_space<vmem>>)
        tpu.yield
      }) : () -> ()
    } else {
    }
    %eq3A_9 = arith.constant 0 : i32
    %eq3A_10 = arith.cmpi eq, %arg1, %eq3A_9 : i32
    %convert_element_type3A_11 = arith.extui %eq3A_10 : i1 to i32
    %cond3A_12 = arith.constant 0 : i32
    %cond3A_13 = arith.cmpi ne, %convert_element_type3A_11, %cond3A_12 : i32
    scf.if %cond3A_13 {
      "tpu.region"() ({
        %run_scoped3A = tpu.sem_alloc : memref<!tpu.dma_semaphore, #tpu.memory_space<semaphore_mem>>
        tpu.enqueue_dma source(%arg3 : memref<128x128xf32, #tpu.memory_space<hbm>>) target(%arg6 : memref<128x128xf32, #tpu.memory_space<vmem_shared>>) target_semaphore(%run_scoped3A : memref<!tpu.dma_semaphore, #tpu.memory_space<semaphore_mem>>)
        tpu.wait_dma2 semaphore(%run_scoped3A : memref<!tpu.dma_semaphore, #tpu.memory_space<semaphore_mem>>) src(%arg3 : memref<128x128xf32, #tpu.memory_space<hbm>>) dst(%arg6 : memref<128x128xf32, #tpu.memory_space<vmem_shared>>)
        tpu.yield
      }) : () -> ()
    } else {
    }
    %barrier3A = arith.constant 0 : index
    tpu.barrier barrier_id(%barrier3A)
    %lt3A_14 = arith.constant 31 : i32
    %lt3A_15 = arith.cmpi slt, %add3A, %lt3A_14 : i32
    %convert_element_type3A_16 = arith.extui %lt3A_15 : i1 to i32
    %cond3A_17 = arith.constant 0 : i32
    %cond3A_18 = arith.cmpi ne, %convert_element_type3A_16, %cond3A_17 : i32
    scf.if %cond3A_18 {
      %dma_start3A = arith.constant 0 : i32
      %dma_start3A_24 = tpu.memref_slice %arg5[%dma_start3A] : memref<3200xi32, #tpu.memory_space<vmem>> -> memref<128xi32, #tpu.memory_space<vmem>>
      %dma_start3A_25 = arith.constant 0 : i32
      %dma_start3A_26 = arith.constant 0 : i32
      %dma_start3A_27 = tpu.memref_slice %arg6[%dma_start3A_25, %dma_start3A_26] : memref<128x128xf32, #tpu.memory_space<vmem_shared>> -> memref<128x128xf32, #tpu.memory_space<vmem_shared>>
      tpu.enqueue_indirect_dma source(%dma_start3A_27 : memref<128x128xf32, #tpu.memory_space<vmem_shared>>) target(%arg8 : memref<128x128xf32, #tpu.memory_space<vmem>>) offsets(%dma_start3A_24 : memref<128xi32, #tpu.memory_space<vmem>>) semaphore(%arg13 : memref<!tpu.dma_semaphore, #tpu.memory_space<semaphore_mem>>)
      %dma_start3A_28 = arith.constant 128 : i32
      %dma_start3A_29 = tpu.memref_slice %arg5[%dma_start3A_28] : memref<3200xi32, #tpu.memory_space<vmem>> -> memref<128xi32, #tpu.memory_space<vmem>>
      %dma_start3A_30 = arith.constant 0 : i32
      %dma_start3A_31 = arith.constant 0 : i32
      %dma_start3A_32 = tpu.memref_slice %arg6[%dma_start3A_30, %dma_start3A_31] : memref<128x128xf32, #tpu.memory_space<vmem_shared>> -> memref<128x128xf32, #tpu.memory_space<vmem_shared>>
      tpu.enqueue_indirect_dma source(%dma_start3A_32 : memref<128x128xf32, #tpu.memory_space<vmem_shared>>) target(%arg9 : memref<128x128xf32, #tpu.memory_space<vmem>>) offsets(%dma_start3A_29 : memref<128xi32, #tpu.memory_space<vmem>>) semaphore(%arg14 : memref<!tpu.dma_semaphore, #tpu.memory_space<semaphore_mem>>)
      %dma_start3A_33 = arith.constant 256 : i32
      %dma_start3A_34 = tpu.memref_slice %arg5[%dma_start3A_33] : memref<3200xi32, #tpu.memory_space<vmem>> -> memref<128xi32, #tpu.memory_space<vmem>>
      %dma_start3A_35 = arith.constant 0 : i32
      %dma_start3A_36 = arith.constant 0 : i32
      %dma_start3A_37 = tpu.memref_slice %arg6[%dma_start3A_35, %dma_start3A_36] : memref<128x128xf32, #tpu.memory_space<vmem_shared>> -> memref<128x128xf32, #tpu.memory_space<vmem_shared>>
      tpu.enqueue_indirect_dma source(%dma_start3A_37 : memref<128x128xf32, #tpu.memory_space<vmem_shared>>) target(%arg10 : memref<128x128xf32, #tpu.memory_space<vmem>>) offsets(%dma_start3A_34 : memref<128xi32, #tpu.memory_space<vmem>>) semaphore(%arg15 : memref<!tpu.dma_semaphore, #tpu.memory_space<semaphore_mem>>)
      %dma_start3A_38 = arith.constant 384 : i32
      %dma_start3A_39 = tpu.memref_slice %arg5[%dma_start3A_38] : memref<3200xi32, #tpu.memory_space<vmem>> -> memref<128xi32, #tpu.memory_space<vmem>>
      %dma_start3A_40 = arith.constant 0 : i32
      %dma_start3A_41 = arith.constant 0 : i32
      %dma_start3A_42 = tpu.memref_slice %arg6[%dma_start3A_40, %dma_start3A_41] : memref<128x128xf32, #tpu.memory_space<vmem_shared>> -> memref<128x128xf32, #tpu.memory_space<vmem_shared>>
      tpu.enqueue_indirect_dma source(%dma_start3A_42 : memref<128x128xf32, #tpu.memory_space<vmem_shared>>) target(%arg11 : memref<128x128xf32, #tpu.memory_space<vmem>>) offsets(%dma_start3A_39 : memref<128xi32, #tpu.memory_space<vmem>>) semaphore(%arg16 : memref<!tpu.dma_semaphore, #tpu.memory_space<semaphore_mem>>)
      %dma_start3A_43 = arith.constant 512 : i32
      %dma_start3A_44 = tpu.memref_slice %arg5[%dma_start3A_43] : memref<3200xi32, #tpu.memory_space<vmem>> -> memref<128xi32, #tpu.memory_space<vmem>>
      %dma_start3A_45 = arith.constant 0 : i32
      %dma_start3A_46 = arith.constant 0 : i32
      %dma_start3A_47 = tpu.memref_slice %arg6[%dma_start3A_45, %dma_start3A_46] : memref<128x128xf32, #tpu.memory_space<vmem_shared>> -> memref<128x128xf32, #tpu.memory_space<vmem_shared>>
      tpu.enqueue_indirect_dma source(%dma_start3A_47 : memref<128x128xf32, #tpu.memory_space<vmem_shared>>) target(%arg12 : memref<128x128xf32, #tpu.memory_space<vmem>>) offsets(%dma_start3A_44 : memref<128xi32, #tpu.memory_space<vmem>>) semaphore(%arg17 : memref<!tpu.dma_semaphore, #tpu.memory_space<semaphore_mem>>)
      %scan3A = arith.constant 0 : i32
      %scan3A_48 = arith.constant 0 : i32
      %scan3A_49 = arith.constant 5 : i32
      %scan3A_50 = arith.addi %scan3A_48, %scan3A_49 : i32
      %scan3A_51 = arith.constant 1 : i32
      scf.for %scan3A_53 = %scan3A_48 to %scan3A_50 step %scan3A_51  : i32 {
        %mul3A_54 = arith.constant 5 : i32
        %mul3A_55 = arith.muli %scan3A_53, %mul3A_54 : i32
        %add3A_56 = arith.constant 0 : i32
        %add3A_57 = arith.addi %mul3A_55, %add3A_56 : i32
        %mul3A_58 = arith.constant 128 : i32
        %mul3A_59 = arith.muli %add3A_57, %mul3A_58 : i32
        %dma_wait3A = tpu.memref_slice %arg5[%mul3A_59] : memref<3200xi32, #tpu.memory_space<vmem>> -> memref<128xi32, #tpu.memory_space<vmem>>
        %dma_wait3A_60 = arith.constant 0 : i32
        %dma_wait3A_61 = arith.constant 0 : i32
        %dma_wait3A_62 = tpu.memref_slice %arg6[%dma_wait3A_60, %dma_wait3A_61] : memref<128x128xf32, #tpu.memory_space<vmem_shared>> -> memref<128x128xf32, #tpu.memory_space<vmem_shared>>
        tpu.wait_indirect_dma semaphore(%arg13 : memref<!tpu.dma_semaphore, #tpu.memory_space<semaphore_mem>>) src(%dma_wait3A_62 : memref<128x128xf32, #tpu.memory_space<vmem_shared>>) dst(%arg8 : memref<128x128xf32, #tpu.memory_space<vmem>>)
        %mul3A_63 = arith.constant 128 : i32
        %mul3A_64 = arith.muli %add3A_57, %mul3A_63 : i32
        %add3A_65 = arith.addi %mul3A_2, %mul3A_64 : i32
        %dma_start3A_66 = arith.constant 0 : i32
        %dma_start3A_67 = tpu.memref_slice %arg4[%add3A_65, %dma_start3A_66] : memref<100000x128xf32, #tpu.memory_space<hbm>> -> memref<128x128xf32, #tpu.memory_space<hbm>>
        %dma_start3A_68 = arith.constant 0 : i32
        %dma_start3A_69 = tpu.memref_slice %arg4[%add3A_65, %dma_start3A_68] : memref<100000x128xf32, #tpu.memory_space<hbm>> -> memref<128x128xf32, #tpu.memory_space<hbm>>
        tpu.enqueue_dma source(%arg8 : memref<128x128xf32, #tpu.memory_space<vmem>>) target(%dma_start3A_69 : memref<128x128xf32, #tpu.memory_space<hbm>>) target_semaphore(%arg18 : memref<!tpu.dma_semaphore, #tpu.memory_space<semaphore_mem>>)
        %dma_wait3A_70 = arith.constant 0 : i32
        %dma_wait3A_71 = tpu.memref_slice %arg4[%add3A_65, %dma_wait3A_70] : memref<100000x128xf32, #tpu.memory_space<hbm>> -> memref<128x128xf32, #tpu.memory_space<hbm>>
        %dma_wait3A_72 = arith.constant 0 : i32
        %dma_wait3A_73 = tpu.memref_slice %arg4[%add3A_65, %dma_wait3A_72] : memref<100000x128xf32, #tpu.memory_space<hbm>> -> memref<128x128xf32, #tpu.memory_space<hbm>>
        tpu.wait_dma2 semaphore(%arg18 : memref<!tpu.dma_semaphore, #tpu.memory_space<semaphore_mem>>) src(%arg8 : memref<128x128xf32, #tpu.memory_space<vmem>>) dst(%dma_wait3A_73 : memref<128x128xf32, #tpu.memory_space<hbm>>)
        %lt3A_74 = arith.constant 4 : i32
        %lt3A_75 = arith.cmpi slt, %scan3A_53, %lt3A_74 : i32
        %convert_element_type3A_76 = arith.extui %lt3A_75 : i1 to i32
        %cond3A_77 = arith.constant 0 : i32
        %cond3A_78 = arith.cmpi ne, %convert_element_type3A_76, %cond3A_77 : i32
        scf.if %cond3A_78 {
          %add3A_183 = arith.constant 5 : i32
          %add3A_184 = arith.addi %add3A_57, %add3A_183 : i32
          %mul3A_185 = arith.constant 128 : i32
          %mul3A_186 = arith.muli %add3A_184, %mul3A_185 : i32
          %dma_start3A_187 = tpu.memref_slice %arg5[%mul3A_186] : memref<3200xi32, #tpu.memory_space<vmem>> -> memref<128xi32, #tpu.memory_space<vmem>>
          %dma_start3A_188 = arith.constant 0 : i32
          %dma_start3A_189 = arith.constant 0 : i32
          %dma_start3A_190 = tpu.memref_slice %arg6[%dma_start3A_188, %dma_start3A_189] : memref<128x128xf32, #tpu.memory_space<vmem_shared>> -> memref<128x128xf32, #tpu.memory_space<vmem_shared>>
          tpu.enqueue_indirect_dma source(%dma_start3A_190 : memref<128x128xf32, #tpu.memory_space<vmem_shared>>) target(%arg8 : memref<128x128xf32, #tpu.memory_space<vmem>>) offsets(%dma_start3A_187 : memref<128xi32, #tpu.memory_space<vmem>>) semaphore(%arg13 : memref<!tpu.dma_semaphore, #tpu.memory_space<semaphore_mem>>)
        } else {
        }
        %mul3A_79 = arith.constant 5 : i32
        %mul3A_80 = arith.muli %scan3A_53, %mul3A_79 : i32
        %add3A_81 = arith.constant 1 : i32
        %add3A_82 = arith.addi %mul3A_80, %add3A_81 : i32
        %mul3A_83 = arith.constant 128 : i32
        %mul3A_84 = arith.muli %add3A_82, %mul3A_83 : i32
        %dma_wait3A_85 = tpu.memref_slice %arg5[%mul3A_84] : memref<3200xi32, #tpu.memory_space<vmem>> -> memref<128xi32, #tpu.memory_space<vmem>>
        %dma_wait3A_86 = arith.constant 0 : i32
        %dma_wait3A_87 = arith.constant 0 : i32
        %dma_wait3A_88 = tpu.memref_slice %arg6[%dma_wait3A_86, %dma_wait3A_87] : memref<128x128xf32, #tpu.memory_space<vmem_shared>> -> memref<128x128xf32, #tpu.memory_space<vmem_shared>>
        tpu.wait_indirect_dma semaphore(%arg14 : memref<!tpu.dma_semaphore, #tpu.memory_space<semaphore_mem>>) src(%dma_wait3A_88 : memref<128x128xf32, #tpu.memory_space<vmem_shared>>) dst(%arg9 : memref<128x128xf32, #tpu.memory_space<vmem>>)
        %mul3A_89 = arith.constant 128 : i32
        %mul3A_90 = arith.muli %add3A_82, %mul3A_89 : i32
        %add3A_91 = arith.addi %mul3A_2, %mul3A_90 : i32
        %dma_start3A_92 = arith.constant 0 : i32
        %dma_start3A_93 = tpu.memref_slice %arg4[%add3A_91, %dma_start3A_92] : memref<100000x128xf32, #tpu.memory_space<hbm>> -> memref<128x128xf32, #tpu.memory_space<hbm>>
        %dma_start3A_94 = arith.constant 0 : i32
        %dma_start3A_95 = tpu.memref_slice %arg4[%add3A_91, %dma_start3A_94] : memref<100000x128xf32, #tpu.memory_space<hbm>> -> memref<128x128xf32, #tpu.memory_space<hbm>>
        tpu.enqueue_dma source(%arg9 : memref<128x128xf32, #tpu.memory_space<vmem>>) target(%dma_start3A_95 : memref<128x128xf32, #tpu.memory_space<hbm>>) target_semaphore(%arg19 : memref<!tpu.dma_semaphore, #tpu.memory_space<semaphore_mem>>)
        %dma_wait3A_96 = arith.constant 0 : i32
        %dma_wait3A_97 = tpu.memref_slice %arg4[%add3A_91, %dma_wait3A_96] : memref<100000x128xf32, #tpu.memory_space<hbm>> -> memref<128x128xf32, #tpu.memory_space<hbm>>
        %dma_wait3A_98 = arith.constant 0 : i32
        %dma_wait3A_99 = tpu.memref_slice %arg4[%add3A_91, %dma_wait3A_98] : memref<100000x128xf32, #tpu.memory_space<hbm>> -> memref<128x128xf32, #tpu.memory_space<hbm>>
        tpu.wait_dma2 semaphore(%arg19 : memref<!tpu.dma_semaphore, #tpu.memory_space<semaphore_mem>>) src(%arg9 : memref<128x128xf32, #tpu.memory_space<vmem>>) dst(%dma_wait3A_99 : memref<128x128xf32, #tpu.memory_space<hbm>>)
        %lt3A_100 = arith.constant 4 : i32
        %lt3A_101 = arith.cmpi slt, %scan3A_53, %lt3A_100 : i32
        %convert_element_type3A_102 = arith.extui %lt3A_101 : i1 to i32
        %cond3A_103 = arith.constant 0 : i32
        %cond3A_104 = arith.cmpi ne, %convert_element_type3A_102, %cond3A_103 : i32
        scf.if %cond3A_104 {
          %add3A_183 = arith.constant 5 : i32
          %add3A_184 = arith.addi %add3A_82, %add3A_183 : i32
          %mul3A_185 = arith.constant 128 : i32
          %mul3A_186 = arith.muli %add3A_184, %mul3A_185 : i32
          %dma_start3A_187 = tpu.memref_slice %arg5[%mul3A_186] : memref<3200xi32, #tpu.memory_space<vmem>> -> memref<128xi32, #tpu.memory_space<vmem>>
          %dma_start3A_188 = arith.constant 0 : i32
          %dma_start3A_189 = arith.constant 0 : i32
          %dma_start3A_190 = tpu.memref_slice %arg6[%dma_start3A_188, %dma_start3A_189] : memref<128x128xf32, #tpu.memory_space<vmem_shared>> -> memref<128x128xf32, #tpu.memory_space<vmem_shared>>
          tpu.enqueue_indirect_dma source(%dma_start3A_190 : memref<128x128xf32, #tpu.memory_space<vmem_shared>>) target(%arg9 : memref<128x128xf32, #tpu.memory_space<vmem>>) offsets(%dma_start3A_187 : memref<128xi32, #tpu.memory_space<vmem>>) semaphore(%arg14 : memref<!tpu.dma_semaphore, #tpu.memory_space<semaphore_mem>>)
        } else {
        }
        %mul3A_105 = arith.constant 5 : i32
        %mul3A_106 = arith.muli %scan3A_53, %mul3A_105 : i32
        %add3A_107 = arith.constant 2 : i32
        %add3A_108 = arith.addi %mul3A_106, %add3A_107 : i32
        %mul3A_109 = arith.constant 128 : i32
        %mul3A_110 = arith.muli %add3A_108, %mul3A_109 : i32
        %dma_wait3A_111 = tpu.memref_slice %arg5[%mul3A_110] : memref<3200xi32, #tpu.memory_space<vmem>> -> memref<128xi32, #tpu.memory_space<vmem>>
        %dma_wait3A_112 = arith.constant 0 : i32
        %dma_wait3A_113 = arith.constant 0 : i32
        %dma_wait3A_114 = tpu.memref_slice %arg6[%dma_wait3A_112, %dma_wait3A_113] : memref<128x128xf32, #tpu.memory_space<vmem_shared>> -> memref<128x128xf32, #tpu.memory_space<vmem_shared>>
        tpu.wait_indirect_dma semaphore(%arg15 : memref<!tpu.dma_semaphore, #tpu.memory_space<semaphore_mem>>) src(%dma_wait3A_114 : memref<128x128xf32, #tpu.memory_space<vmem_shared>>) dst(%arg10 : memref<128x128xf32, #tpu.memory_space<vmem>>)
        %mul3A_115 = arith.constant 128 : i32
        %mul3A_116 = arith.muli %add3A_108, %mul3A_115 : i32
        %add3A_117 = arith.addi %mul3A_2, %mul3A_116 : i32
        %dma_start3A_118 = arith.constant 0 : i32
        %dma_start3A_119 = tpu.memref_slice %arg4[%add3A_117, %dma_start3A_118] : memref<100000x128xf32, #tpu.memory_space<hbm>> -> memref<128x128xf32, #tpu.memory_space<hbm>>
        %dma_start3A_120 = arith.constant 0 : i32
        %dma_start3A_121 = tpu.memref_slice %arg4[%add3A_117, %dma_start3A_120] : memref<100000x128xf32, #tpu.memory_space<hbm>> -> memref<128x128xf32, #tpu.memory_space<hbm>>
        tpu.enqueue_dma source(%arg10 : memref<128x128xf32, #tpu.memory_space<vmem>>) target(%dma_start3A_121 : memref<128x128xf32, #tpu.memory_space<hbm>>) target_semaphore(%arg20 : memref<!tpu.dma_semaphore, #tpu.memory_space<semaphore_mem>>)
        %dma_wait3A_122 = arith.constant 0 : i32
        %dma_wait3A_123 = tpu.memref_slice %arg4[%add3A_117, %dma_wait3A_122] : memref<100000x128xf32, #tpu.memory_space<hbm>> -> memref<128x128xf32, #tpu.memory_space<hbm>>
        %dma_wait3A_124 = arith.constant 0 : i32
        %dma_wait3A_125 = tpu.memref_slice %arg4[%add3A_117, %dma_wait3A_124] : memref<100000x128xf32, #tpu.memory_space<hbm>> -> memref<128x128xf32, #tpu.memory_space<hbm>>
        tpu.wait_dma2 semaphore(%arg20 : memref<!tpu.dma_semaphore, #tpu.memory_space<semaphore_mem>>) src(%arg10 : memref<128x128xf32, #tpu.memory_space<vmem>>) dst(%dma_wait3A_125 : memref<128x128xf32, #tpu.memory_space<hbm>>)
        %lt3A_126 = arith.constant 4 : i32
        %lt3A_127 = arith.cmpi slt, %scan3A_53, %lt3A_126 : i32
        %convert_element_type3A_128 = arith.extui %lt3A_127 : i1 to i32
        %cond3A_129 = arith.constant 0 : i32
        %cond3A_130 = arith.cmpi ne, %convert_element_type3A_128, %cond3A_129 : i32
        scf.if %cond3A_130 {
          %add3A_183 = arith.constant 5 : i32
          %add3A_184 = arith.addi %add3A_108, %add3A_183 : i32
          %mul3A_185 = arith.constant 128 : i32
          %mul3A_186 = arith.muli %add3A_184, %mul3A_185 : i32
          %dma_start3A_187 = tpu.memref_slice %arg5[%mul3A_186] : memref<3200xi32, #tpu.memory_space<vmem>> -> memref<128xi32, #tpu.memory_space<vmem>>
          %dma_start3A_188 = arith.constant 0 : i32
          %dma_start3A_189 = arith.constant 0 : i32
          %dma_start3A_190 = tpu.memref_slice %arg6[%dma_start3A_188, %dma_start3A_189] : memref<128x128xf32, #tpu.memory_space<vmem_shared>> -> memref<128x128xf32, #tpu.memory_space<vmem_shared>>
          tpu.enqueue_indirect_dma source(%dma_start3A_190 : memref<128x128xf32, #tpu.memory_space<vmem_shared>>) target(%arg10 : memref<128x128xf32, #tpu.memory_space<vmem>>) offsets(%dma_start3A_187 : memref<128xi32, #tpu.memory_space<vmem>>) semaphore(%arg15 : memref<!tpu.dma_semaphore, #tpu.memory_space<semaphore_mem>>)
        } else {
        }
        %mul3A_131 = arith.constant 5 : i32
        %mul3A_132 = arith.muli %scan3A_53, %mul3A_131 : i32
        %add3A_133 = arith.constant 3 : i32
        %add3A_134 = arith.addi %mul3A_132, %add3A_133 : i32
        %mul3A_135 = arith.constant 128 : i32
        %mul3A_136 = arith.muli %add3A_134, %mul3A_135 : i32
        %dma_wait3A_137 = tpu.memref_slice %arg5[%mul3A_136] : memref<3200xi32, #tpu.memory_space<vmem>> -> memref<128xi32, #tpu.memory_space<vmem>>
        %dma_wait3A_138 = arith.constant 0 : i32
        %dma_wait3A_139 = arith.constant 0 : i32
        %dma_wait3A_140 = tpu.memref_slice %arg6[%dma_wait3A_138, %dma_wait3A_139] : memref<128x128xf32, #tpu.memory_space<vmem_shared>> -> memref<128x128xf32, #tpu.memory_space<vmem_shared>>
        tpu.wait_indirect_dma semaphore(%arg16 : memref<!tpu.dma_semaphore, #tpu.memory_space<semaphore_mem>>) src(%dma_wait3A_140 : memref<128x128xf32, #tpu.memory_space<vmem_shared>>) dst(%arg11 : memref<128x128xf32, #tpu.memory_space<vmem>>)
        %mul3A_141 = arith.constant 128 : i32
        %mul3A_142 = arith.muli %add3A_134, %mul3A_141 : i32
        %add3A_143 = arith.addi %mul3A_2, %mul3A_142 : i32
        %dma_start3A_144 = arith.constant 0 : i32
        %dma_start3A_145 = tpu.memref_slice %arg4[%add3A_143, %dma_start3A_144] : memref<100000x128xf32, #tpu.memory_space<hbm>> -> memref<128x128xf32, #tpu.memory_space<hbm>>
        %dma_start3A_146 = arith.constant 0 : i32
        %dma_start3A_147 = tpu.memref_slice %arg4[%add3A_143, %dma_start3A_146] : memref<100000x128xf32, #tpu.memory_space<hbm>> -> memref<128x128xf32, #tpu.memory_space<hbm>>
        tpu.enqueue_dma source(%arg11 : memref<128x128xf32, #tpu.memory_space<vmem>>) target(%dma_start3A_147 : memref<128x128xf32, #tpu.memory_space<hbm>>) target_semaphore(%arg21 : memref<!tpu.dma_semaphore, #tpu.memory_space<semaphore_mem>>)
        %dma_wait3A_148 = arith.constant 0 : i32
        %dma_wait3A_149 = tpu.memref_slice %arg4[%add3A_143, %dma_wait3A_148] : memref<100000x128xf32, #tpu.memory_space<hbm>> -> memref<128x128xf32, #tpu.memory_space<hbm>>
        %dma_wait3A_150 = arith.constant 0 : i32
        %dma_wait3A_151 = tpu.memref_slice %arg4[%add3A_143, %dma_wait3A_150] : memref<100000x128xf32, #tpu.memory_space<hbm>> -> memref<128x128xf32, #tpu.memory_space<hbm>>
        tpu.wait_dma2 semaphore(%arg21 : memref<!tpu.dma_semaphore, #tpu.memory_space<semaphore_mem>>) src(%arg11 : memref<128x128xf32, #tpu.memory_space<vmem>>) dst(%dma_wait3A_151 : memref<128x128xf32, #tpu.memory_space<hbm>>)
        %lt3A_152 = arith.constant 4 : i32
        %lt3A_153 = arith.cmpi slt, %scan3A_53, %lt3A_152 : i32
        %convert_element_type3A_154 = arith.extui %lt3A_153 : i1 to i32
        %cond3A_155 = arith.constant 0 : i32
        %cond3A_156 = arith.cmpi ne, %convert_element_type3A_154, %cond3A_155 : i32
        scf.if %cond3A_156 {
          %add3A_183 = arith.constant 5 : i32
          %add3A_184 = arith.addi %add3A_134, %add3A_183 : i32
          %mul3A_185 = arith.constant 128 : i32
          %mul3A_186 = arith.muli %add3A_184, %mul3A_185 : i32
          %dma_start3A_187 = tpu.memref_slice %arg5[%mul3A_186] : memref<3200xi32, #tpu.memory_space<vmem>> -> memref<128xi32, #tpu.memory_space<vmem>>
          %dma_start3A_188 = arith.constant 0 : i32
          %dma_start3A_189 = arith.constant 0 : i32
          %dma_start3A_190 = tpu.memref_slice %arg6[%dma_start3A_188, %dma_start3A_189] : memref<128x128xf32, #tpu.memory_space<vmem_shared>> -> memref<128x128xf32, #tpu.memory_space<vmem_shared>>
          tpu.enqueue_indirect_dma source(%dma_start3A_190 : memref<128x128xf32, #tpu.memory_space<vmem_shared>>) target(%arg11 : memref<128x128xf32, #tpu.memory_space<vmem>>) offsets(%dma_start3A_187 : memref<128xi32, #tpu.memory_space<vmem>>) semaphore(%arg16 : memref<!tpu.dma_semaphore, #tpu.memory_space<semaphore_mem>>)
        } else {
        }
        %mul3A_157 = arith.constant 5 : i32
        %mul3A_158 = arith.muli %scan3A_53, %mul3A_157 : i32
        %add3A_159 = arith.constant 4 : i32
        %add3A_160 = arith.addi %mul3A_158, %add3A_159 : i32
        %mul3A_161 = arith.constant 128 : i32
        %mul3A_162 = arith.muli %add3A_160, %mul3A_161 : i32
        %dma_wait3A_163 = tpu.memref_slice %arg5[%mul3A_162] : memref<3200xi32, #tpu.memory_space<vmem>> -> memref<128xi32, #tpu.memory_space<vmem>>
        %dma_wait3A_164 = arith.constant 0 : i32
        %dma_wait3A_165 = arith.constant 0 : i32
        %dma_wait3A_166 = tpu.memref_slice %arg6[%dma_wait3A_164, %dma_wait3A_165] : memref<128x128xf32, #tpu.memory_space<vmem_shared>> -> memref<128x128xf32, #tpu.memory_space<vmem_shared>>
        tpu.wait_indirect_dma semaphore(%arg17 : memref<!tpu.dma_semaphore, #tpu.memory_space<semaphore_mem>>) src(%dma_wait3A_166 : memref<128x128xf32, #tpu.memory_space<vmem_shared>>) dst(%arg12 : memref<128x128xf32, #tpu.memory_space<vmem>>)
        %mul3A_167 = arith.constant 128 : i32
        %mul3A_168 = arith.muli %add3A_160, %mul3A_167 : i32
        %add3A_169 = arith.addi %mul3A_2, %mul3A_168 : i32
        %dma_start3A_170 = arith.constant 0 : i32
        %dma_start3A_171 = tpu.memref_slice %arg4[%add3A_169, %dma_start3A_170] : memref<100000x128xf32, #tpu.memory_space<hbm>> -> memref<128x128xf32, #tpu.memory_space<hbm>>
        %dma_start3A_172 = arith.constant 0 : i32
        %dma_start3A_173 = tpu.memref_slice %arg4[%add3A_169, %dma_start3A_172] : memref<100000x128xf32, #tpu.memory_space<hbm>> -> memref<128x128xf32, #tpu.memory_space<hbm>>
        tpu.enqueue_dma source(%arg12 : memref<128x128xf32, #tpu.memory_space<vmem>>) target(%dma_start3A_173 : memref<128x128xf32, #tpu.memory_space<hbm>>) target_semaphore(%arg22 : memref<!tpu.dma_semaphore, #tpu.memory_space<semaphore_mem>>)
        %dma_wait3A_174 = arith.constant 0 : i32
        %dma_wait3A_175 = tpu.memref_slice %arg4[%add3A_169, %dma_wait3A_174] : memref<100000x128xf32, #tpu.memory_space<hbm>> -> memref<128x128xf32, #tpu.memory_space<hbm>>
        %dma_wait3A_176 = arith.constant 0 : i32
        %dma_wait3A_177 = tpu.memref_slice %arg4[%add3A_169, %dma_wait3A_176] : memref<100000x128xf32, #tpu.memory_space<hbm>> -> memref<128x128xf32, #tpu.memory_space<hbm>>
        tpu.wait_dma2 semaphore(%arg22 : memref<!tpu.dma_semaphore, #tpu.memory_space<semaphore_mem>>) src(%arg12 : memref<128x128xf32, #tpu.memory_space<vmem>>) dst(%dma_wait3A_177 : memref<128x128xf32, #tpu.memory_space<hbm>>)
        %lt3A_178 = arith.constant 4 : i32
        %lt3A_179 = arith.cmpi slt, %scan3A_53, %lt3A_178 : i32
        %convert_element_type3A_180 = arith.extui %lt3A_179 : i1 to i32
        %cond3A_181 = arith.constant 0 : i32
        %cond3A_182 = arith.cmpi ne, %convert_element_type3A_180, %cond3A_181 : i32
        scf.if %cond3A_182 {
          %add3A_183 = arith.constant 5 : i32
          %add3A_184 = arith.addi %add3A_160, %add3A_183 : i32
          %mul3A_185 = arith.constant 128 : i32
          %mul3A_186 = arith.muli %add3A_184, %mul3A_185 : i32
          %dma_start3A_187 = tpu.memref_slice %arg5[%mul3A_186] : memref<3200xi32, #tpu.memory_space<vmem>> -> memref<128xi32, #tpu.memory_space<vmem>>
          %dma_start3A_188 = arith.constant 0 : i32
          %dma_start3A_189 = arith.constant 0 : i32
          %dma_start3A_190 = tpu.memref_slice %arg6[%dma_start3A_188, %dma_start3A_189] : memref<128x128xf32, #tpu.memory_space<vmem_shared>> -> memref<128x128xf32, #tpu.memory_space<vmem_shared>>
          tpu.enqueue_indirect_dma source(%dma_start3A_190 : memref<128x128xf32, #tpu.memory_space<vmem_shared>>) target(%arg12 : memref<128x128xf32, #tpu.memory_space<vmem>>) offsets(%dma_start3A_187 : memref<128xi32, #tpu.memory_space<vmem>>) semaphore(%arg17 : memref<!tpu.dma_semaphore, #tpu.memory_space<semaphore_mem>>)
        } else {
        }
      }
      %scan3A_52 = arith.constant 5 : i32
    } else {
    }
    %eq3A_19 = arith.constant 31 : i32
    %eq3A_20 = arith.cmpi eq, %add3A, %eq3A_19 : i32
    %convert_element_type3A_21 = arith.extui %eq3A_20 : i1 to i32
    %cond3A_22 = arith.constant 0 : i32
    %cond3A_23 = arith.cmpi ne, %convert_element_type3A_21, %cond3A_22 : i32
    scf.if %cond3A_23 {
      %scan3A = arith.constant 0 : i32
      %scan3A_24 = arith.constant 0 : i32
      %scan3A_25 = arith.constant 6 : i32
      %scan3A_26 = arith.addi %scan3A_24, %scan3A_25 : i32
      %scan3A_27 = arith.constant 1 : i32
      scf.for %scan3A_39 = %scan3A_24 to %scan3A_26 step %scan3A_27  : i32 {
        %mul3A_40 = arith.constant 128 : i32
        %mul3A_41 = arith.muli %scan3A_39, %mul3A_40 : i32
        %dma_start3A_42 = tpu.memref_slice %arg5[%mul3A_41] : memref<3200xi32, #tpu.memory_space<vmem>> -> memref<128xi32, #tpu.memory_space<vmem>>
        %dma_start3A_43 = arith.constant 0 : i32
        %dma_start3A_44 = arith.constant 0 : i32
        %dma_start3A_45 = tpu.memref_slice %arg6[%dma_start3A_43, %dma_start3A_44] : memref<128x128xf32, #tpu.memory_space<vmem_shared>> -> memref<128x128xf32, #tpu.memory_space<vmem_shared>>
        tpu.enqueue_indirect_dma source(%dma_start3A_45 : memref<128x128xf32, #tpu.memory_space<vmem_shared>>) target(%arg8 : memref<128x128xf32, #tpu.memory_space<vmem>>) offsets(%dma_start3A_42 : memref<128xi32, #tpu.memory_space<vmem>>) semaphore(%arg13 : memref<!tpu.dma_semaphore, #tpu.memory_space<semaphore_mem>>)
        %dma_wait3A_46 = tpu.memref_slice %arg5[%mul3A_41] : memref<3200xi32, #tpu.memory_space<vmem>> -> memref<128xi32, #tpu.memory_space<vmem>>
        %dma_wait3A_47 = arith.constant 0 : i32
        %dma_wait3A_48 = arith.constant 0 : i32
        %dma_wait3A_49 = tpu.memref_slice %arg6[%dma_wait3A_47, %dma_wait3A_48] : memref<128x128xf32, #tpu.memory_space<vmem_shared>> -> memref<128x128xf32, #tpu.memory_space<vmem_shared>>
        tpu.wait_indirect_dma semaphore(%arg13 : memref<!tpu.dma_semaphore, #tpu.memory_space<semaphore_mem>>) src(%dma_wait3A_49 : memref<128x128xf32, #tpu.memory_space<vmem_shared>>) dst(%arg8 : memref<128x128xf32, #tpu.memory_space<vmem>>)
        %mul3A_50 = arith.constant 128 : i32
        %mul3A_51 = arith.muli %scan3A_39, %mul3A_50 : i32
        %add3A_52 = arith.addi %mul3A_2, %mul3A_51 : i32
        "tpu.region"() ({
          %run_scoped3A = tpu.sem_alloc : memref<!tpu.dma_semaphore, #tpu.memory_space<semaphore_mem>>
          %dma_start3A_53 = arith.constant 0 : i32
          %dma_start3A_54 = tpu.memref_slice %arg4[%add3A_52, %dma_start3A_53] : memref<100000x128xf32, #tpu.memory_space<hbm>> -> memref<128x128xf32, #tpu.memory_space<hbm>>
          %dma_start3A_55 = arith.constant 0 : i32
          %dma_start3A_56 = tpu.memref_slice %arg4[%add3A_52, %dma_start3A_55] : memref<100000x128xf32, #tpu.memory_space<hbm>> -> memref<128x128xf32, #tpu.memory_space<hbm>>
          tpu.enqueue_dma source(%arg8 : memref<128x128xf32, #tpu.memory_space<vmem>>) target(%dma_start3A_56 : memref<128x128xf32, #tpu.memory_space<hbm>>) target_semaphore(%run_scoped3A : memref<!tpu.dma_semaphore, #tpu.memory_space<semaphore_mem>>)
          %dma_wait3A_57 = arith.constant 0 : i32
          %dma_wait3A_58 = tpu.memref_slice %arg4[%add3A_52, %dma_wait3A_57] : memref<100000x128xf32, #tpu.memory_space<hbm>> -> memref<128x128xf32, #tpu.memory_space<hbm>>
          %dma_wait3A_59 = arith.constant 0 : i32
          %dma_wait3A_60 = tpu.memref_slice %arg4[%add3A_52, %dma_wait3A_59] : memref<100000x128xf32, #tpu.memory_space<hbm>> -> memref<128x128xf32, #tpu.memory_space<hbm>>
          tpu.wait_dma2 semaphore(%run_scoped3A : memref<!tpu.dma_semaphore, #tpu.memory_space<semaphore_mem>>) src(%arg8 : memref<128x128xf32, #tpu.memory_space<vmem>>) dst(%dma_wait3A_60 : memref<128x128xf32, #tpu.memory_space<hbm>>)
          tpu.yield
        }) : () -> ()
      }
      %scan3A_28 = arith.constant 6 : i32
      %dma_start3A = arith.constant 768 : i32
      %dma_start3A_29 = tpu.memref_slice %arg5[%dma_start3A] : memref<3200xi32, #tpu.memory_space<vmem>> -> memref<32xi32, #tpu.memory_space<vmem>>
      %dma_start3A_30 = arith.constant 0 : i32
      %dma_start3A_31 = arith.constant 0 : i32
      %dma_start3A_32 = tpu.memref_slice %arg6[%dma_start3A_30, %dma_start3A_31] : memref<128x128xf32, #tpu.memory_space<vmem_shared>> -> memref<128x128xf32, #tpu.memory_space<vmem_shared>>
      tpu.enqueue_indirect_dma source(%dma_start3A_32 : memref<128x128xf32, #tpu.memory_space<vmem_shared>>) target(%arg7 : memref<32x128xf32, #tpu.memory_space<vmem>>) offsets(%dma_start3A_29 : memref<32xi32, #tpu.memory_space<vmem>>) semaphore(%arg14 : memref<!tpu.dma_semaphore, #tpu.memory_space<semaphore_mem>>)
      %dma_wait3A = arith.constant 768 : i32
      %dma_wait3A_33 = tpu.memref_slice %arg5[%dma_wait3A] : memref<3200xi32, #tpu.memory_space<vmem>> -> memref<32xi32, #tpu.memory_space<vmem>>
      %dma_wait3A_34 = arith.constant 0 : i32
      %dma_wait3A_35 = arith.constant 0 : i32
      %dma_wait3A_36 = tpu.memref_slice %arg6[%dma_wait3A_34, %dma_wait3A_35] : memref<128x128xf32, #tpu.memory_space<vmem_shared>> -> memref<128x128xf32, #tpu.memory_space<vmem_shared>>
      tpu.wait_indirect_dma semaphore(%arg14 : memref<!tpu.dma_semaphore, #tpu.memory_space<semaphore_mem>>) src(%dma_wait3A_36 : memref<128x128xf32, #tpu.memory_space<vmem_shared>>) dst(%arg7 : memref<32x128xf32, #tpu.memory_space<vmem>>)
      %add3A_37 = arith.constant 768 : i32
      %add3A_38 = arith.addi %mul3A_2, %add3A_37 : i32
      "tpu.region"() ({
        %run_scoped3A = tpu.sem_alloc : memref<!tpu.dma_semaphore, #tpu.memory_space<semaphore_mem>>
        %dma_start3A_39 = arith.constant 0 : i32
        %dma_start3A_40 = tpu.memref_slice %arg4[%add3A_38, %dma_start3A_39] : memref<100000x128xf32, #tpu.memory_space<hbm>> -> memref<32x128xf32, #tpu.memory_space<hbm>>
        %dma_start3A_41 = arith.constant 0 : i32
        %dma_start3A_42 = tpu.memref_slice %arg4[%add3A_38, %dma_start3A_41] : memref<100000x128xf32, #tpu.memory_space<hbm>> -> memref<32x128xf32, #tpu.memory_space<hbm>>
        tpu.enqueue_dma source(%arg7 : memref<32x128xf32, #tpu.memory_space<vmem>>) target(%dma_start3A_42 : memref<32x128xf32, #tpu.memory_space<hbm>>) target_semaphore(%run_scoped3A : memref<!tpu.dma_semaphore, #tpu.memory_space<semaphore_mem>>)
        %dma_wait3A_43 = arith.constant 0 : i32
        %dma_wait3A_44 = tpu.memref_slice %arg4[%add3A_38, %dma_wait3A_43] : memref<100000x128xf32, #tpu.memory_space<hbm>> -> memref<32x128xf32, #tpu.memory_space<hbm>>
        %dma_wait3A_45 = arith.constant 0 : i32
        %dma_wait3A_46 = tpu.memref_slice %arg4[%add3A_38, %dma_wait3A_45] : memref<100000x128xf32, #tpu.memory_space<hbm>> -> memref<32x128xf32, #tpu.memory_space<hbm>>
        tpu.wait_dma2 semaphore(%run_scoped3A : memref<!tpu.dma_semaphore, #tpu.memory_space<semaphore_mem>>) src(%arg7 : memref<32x128xf32, #tpu.memory_space<vmem>>) dst(%dma_wait3A_46 : memref<32x128xf32, #tpu.memory_space<hbm>>)
        tpu.yield
      }) : () -> ()
    } else {
    }
    return
  }
}

module attributes {stable_mosaic.version = 14 : i64} {
  func.func @_fuse_body(%arg0: memref<119x128xf32, #tpu.memory_space<vmem>>, %arg1: memref<132x128xf32, #tpu.memory_space<vmem>>, %arg2: memref<1x128xf32, #tpu.memory_space<vmem>>, %arg3: memref<128x4xf32, #tpu.memory_space<vmem>>, %arg4: memref<128x128xf32, #tpu.memory_space<vmem>>) attributes {dimension_semantics = [], scalar_prefetch = 0 : i64, scratch_operands = 0 : i64, tpu.core_type = #tpu.core_type<tc>} {
    %get3A = arith.constant 0 : index
    %get3A_0 = arith.constant 0 : index
    %get3A_1 = vector.load %arg0[%get3A, %get3A_0] : memref<119x128xf32, #tpu.memory_space<vmem>>, vector<119x128xf32>
    %broadcast_in_dim3A = arith.constant 0.000000e+00 : f32
    %broadcast_in_dim3A_2 = vector.broadcast %broadcast_in_dim3A : f32 to vector<9x128xf32>
    %concatenate3A = tpu.concatenate %get3A_1, %broadcast_in_dim3A_2 in 0 : vector<119x128xf32>, vector<9x128xf32> -> vector<128x128xf32>
    %get3A_3 = arith.constant 0 : index
    %get3A_4 = arith.constant 0 : index
    %get3A_5 = vector.load %arg1[%get3A_3, %get3A_4] : memref<132x128xf32, #tpu.memory_space<vmem>>, vector<128x128xf32>
    %dot_general3A = arith.constant dense<0.000000e+00> : vector<128x128xf32>
    %dot_general3A_6 = tpu.matmul %concatenate3A, %get3A_5, %dot_general3A {dimension_numbers = #tpu.dot_dimension_numbers<[1], [0], [0], [1], [0, 0, 1, 1], [], []>, transpose_lhs_hint = false} : vector<128x128xf32>, vector<128x128xf32>, vector<128x128xf32> -> vector<128x128xf32>
    %get3A_7 = arith.constant 0 : index
    %get3A_8 = arith.constant 0 : index
    %get3A_9 = vector.load %arg3[%get3A_7, %get3A_8] : memref<128x4xf32, #tpu.memory_space<vmem>>, vector<128x4xf32>
    %get3A_10 = arith.constant 128 : index
    %get3A_11 = arith.constant 0 : index
    %get3A_12 = vector.load %arg1[%get3A_10, %get3A_11] : memref<132x128xf32, #tpu.memory_space<vmem>>, vector<4x128xf32>
    %dot_general3A_13 = arith.constant dense<0.000000e+00> : vector<128x128xf32>
    %dot_general3A_14 = tpu.matmul %get3A_9, %get3A_12, %dot_general3A_13 {dimension_numbers = #tpu.dot_dimension_numbers<[1], [0], [0], [1], [0, 0, 1, 1], [], []>, transpose_lhs_hint = false} : vector<128x4xf32>, vector<4x128xf32>, vector<128x128xf32> -> vector<128x128xf32>
    %add3A = arith.addf %dot_general3A_6, %dot_general3A_14 : vector<128x128xf32>
    %get3A_15 = arith.constant 0 : index
    %get3A_16 = arith.constant 0 : index
    %get3A_17 = vector.load %arg2[%get3A_15, %get3A_16] : memref<1x128xf32, #tpu.memory_space<vmem>>, vector<1x128xf32>
    %add3A_18 = vector.broadcast %get3A_17 : vector<1x128xf32> to vector<128x128xf32>
    %add3A_19 = arith.addf %add3A, %add3A_18 : vector<128x128xf32>
    %swap3A = arith.constant 0 : index
    %swap3A_20 = arith.constant 0 : index
    %swap3A_21 = vector.load %arg4[%swap3A, %swap3A_20] : memref<128x128xf32, #tpu.memory_space<vmem>>, vector<128x128xf32>
    tpu.vector_store %arg4[%swap3A, %swap3A_20], %add3A_19 {strides = array<i32>} : memref<128x128xf32, #tpu.memory_space<vmem>>, vector<128x128xf32>,
    return
  }
}

</mosaic_0001>

<sc_bundles>
// kernel: kernel.4.cloned.1.call-start
scs
__scs_entry_jumppad:
0x0: {  	(pc) =	sbr.rel $0x88, $3  }
0x1: {  	(tag) =	ssettag $0x0;
	lr =	simm.s32 $0x1  }
0x2: {  	[smem:$0x3F9D] =	sst lr;
	_ =	strace $0xD0000000  }
0x3: {  	_ = 	snop  }
0x4: {  	_ = 	snop  }
0x5: {  	_ = 	snop  }
0x6: {  	_ = 	snop  }
0x7: {  	_ = 	snop  }
__scs_overlays_trampoline_lowered:
0x8: {  	[smem:$0x3FAC] =	sst s0  }
0x9: {  	[smem:$0x3FAD] =	sst s1  }
0xa: {  	[smem:$0x3FAE] =	sst s2  }
0xb: {  	[smem:$0x3FAF] =	sst s3  }
0xc: {  	[smem:$0x3FB0] =	sst s4  }
0xd: {  	[smem:$0x3FB1] =	sst s5  }
0xe: {  	[smem:$0x3FB2] =	sst s6  }
0xf: {  	[smem:$0x3FB3] =	sst s7  }
0x10: {  	[smem:$0x3FB4] =	sst s8  }
0x11: {  	[smem:$0x3FB5] =	sst s9;
	s0 =	simm.s32 @!p0 $0x0  }
0x12: {  	s1 =	sld [smem:$0x3F9B];
	s0 =	simm.s32 @p0 $0x1  }
0x13: {  	[smem:$0x3FB6] =	sst s0;
	s0 =	simm.s32 @!p1 $0x0  }
0x14: {  	s2 =	sld [smem:$0x3F9A];
	s0 =	simm.s32 @p1 $0x1  }
0x15: {  	[smem:$0x3FB7] =	sst s0;
	s0 =	simm.s32 @!p2 $0x0  }
0x16: {  	s3 =	sld [smem:$0x3FDB];
	s0 =	simm.s32 @p2 $0x1  }
0x17: {  	s4 =	simm.s32 $0x1BF5;
	[smem:$0x3FB9] =	sst s0  }
0x18: {  	s0 =	sld [smem:$0x3F9C];
	_ =	swait.ge [sflag:s4], $0x0  }
0x19: {  	s7 =	sld [smem:$0x3F9D]  }
0x1a: {  	s8 =	sadd.s32 $0xFFFFE003, lr  }
0x1b: {  	s9 =	sadd.s32 $0xFFFFFEF7, lr;
	s5 =	simm.s32 $0xFFFFFFFF;
	p2 =	slt.u32 s8, $0xFFFFF086  }
0x1c: {  	p1 =	slt.u32 s9, $0xF7A;
	s5 =	simm.s32 @!p2 $0x0  }
0x1d: {  	s5 =	simm.s32 @p1 $0x1;
	p0 =	seq.s32 s7, s2  }
0x1e: {  	s7 =	smul.u32 @!p0 $0xF7A, s2;
	p2 =	seq.s32 @!p0 s5, $0x0  }
0x1f: {  	s9 =	smul.u32 $0xF7A, s1;
	s8 =	simm.s32 @!p0 $0x1BF5;
	p2 =	por !p2, p0  }
0x20: {  	[sflag:s8] =	ssyncset.s32 @!p0 $0xFFFFF086;
	s6 =	sadd.s32 @!p0 s3, s7;
	s7 =	simm.s32 @!p0 $0x108  }
0x21: {  	s3 =	sadd.s32 s3, s9;
	s6 =	sadd.s32 @!p0 $0x88, s6;
	s7 =	simm.s32 @p2 $0x1082  }
0x22: {  	[simem:s7], [sflag:s8] =	dma.local @!p0 [hbm:s6], $0xF7A  }
0x23: {  	s9 =	sor.u32 $0xD0000000, s2;
	s6 =	simm.s32 $0x108;
	_ =	swait.ge @!p0 [sflag:s8], $0x0  }
0x24: {  	s3 =	sadd.s32 $0x88, s3;
	s6 =	simm.s32 @!p1 $0x1082;
	[sflag:s4] =	ssyncset.s32 $0xFFFFF086  }
0x25: {  	[simem:s6], [sflag:s4] =	dma.local [hbm:s3], $0xF7A  }
0x26: {  	[smem:$0x3F9D] =	sst s1;
	(tag) =	ssettag s2;
	_ =	strace s9  }
0x27: {  	s1 =	sld [smem:$0x3FAD]  }
0x28: {  	s2 =	sld [smem:$0x3FAE]  }
0x29: {  	s4 =	sld [smem:$0x3FB0]  }
0x2a: {  	p0 =	seq.s32 s5, $0x0;
	s5 =	sld [smem:$0x3FB1]  }
0x2b: {  	s6 =	sld [smem:$0x3FB2]  }
0x2c: {  	s7 =	sld [smem:$0x3FB3]  }
0x2d: {  	s3 =	simm.s32 $0x108;
	s8 =	sld [smem:$0x3FB4]  }
0x2e: {  	s3 =	simm.s32 @!p0 $0x1082;
	s9 =	sld [smem:$0x3FB5]  }
0x2f: {  	lr =	sadd.s32 s0, s3;
	s0 =	sld [smem:$0x3FAC]  }
0x30: {  	s3 =	sld [smem:$0x3FAF]  }
0x31: {  	[smem:$0x3FB8] =	sst s10  }
0x32: {  	s10 =	sld [smem:$0x3FB6];
	_ =	sdelay $0x3  }
0x33: {  	p0 =	seq.s32 s10, $0x1;
	s10 =	sld [smem:$0x3FB8];
	_ =	sdelay $0x3  }
0x34: {  	[smem:$0x3FB8] =	sst s10  }
0x35: {  	s10 =	sld [smem:$0x3FB7];
	_ =	sdelay $0x3  }
0x36: {  	p1 =	seq.s32 s10, $0x1;
	s10 =	sld [smem:$0x3FB8];
	_ =	sdelay $0x3  }
0x37: {  	[smem:$0x3FB8] =	sst s10  }
0x38: {  	s10 =	sld [smem:$0x3FB9]  }
0x39: {  	_ = 	snop;
	(pc) =	sbr.ind lr, $3  }
0x3a: {  	_ = 	snop  }
0x3b: {  	_ = 	snop  }
0x3c: {  	p2 =	seq.s32 s10, $0x1;
	s10 =	sld [smem:$0x3FB8]  }
0x3d: {  	_ =	shalt  }
0x3e: {  	_ =	shalt  }
0x3f: {  	_ =	shalt  }
0x40: {  	_ =	shalt  }
0x41: {  	_ =	shalt  }
0x42: {  	_ =	shalt  }
0x43: {  	_ =	shalt  }
0x44: {  	_ =	shalt  }
0x45: {  	_ =	shalt  }
0x46: {  	_ =	shalt  }
0x47: {  	_ =	shalt  }
0x48: {  	_ =	shalt  }
0x49: {  	_ =	shalt  }
0x4a: {  	_ =	shalt  }
0x4b: {  	_ =	shalt  }
0x4c: {  	_ =	shalt  }
0x4d: {  	_ =	shalt  }
0x4e: {  	_ =	shalt  }
0x4f: {  	_ =	shalt  }
0x50: {  	_ =	shalt  }
0x51: {  	_ =	shalt  }
0x52: {  	_ =	shalt  }
0x53: {  	_ =	shalt  }
0x54: {  	_ =	shalt  }
0x55: {  	_ =	shalt  }
0x56: {  	_ =	shalt  }
0x57: {  	_ =	shalt  }
0x58: {  	_ =	shalt  }
0x59: {  	_ =	shalt  }
0x5a: {  	_ =	shalt  }
0x5b: {  	_ =	shalt  }
0x5c: {  	_ =	shalt  }
0x5d: {  	_ =	shalt  }
0x5e: {  	_ =	shalt  }
0x5f: {  	_ =	shalt  }
0x60: {  	_ =	shalt  }
0x61: {  	_ =	shalt  }
0x62: {  	_ =	shalt  }
0x63: {  	_ =	shalt  }
0x64: {  	_ =	shalt  }
0x65: {  	_ =	shalt  }
0x66: {  	_ =	shalt  }
0x67: {  	_ =	shalt  }
0x68: {  	_ =	shalt  }
0x69: {  	_ =	shalt  }
0x6a: {  	_ =	shalt  }
0x6b: {  	_ =	shalt  }
0x6c: {  	_ =	shalt  }
0x6d: {  	_ =	shalt  }
0x6e: {  	_ =	shalt  }
0x6f: {  	_ =	shalt  }
0x70: {  	_ =	shalt  }
0x71: {  	_ =	shalt  }
0x72: {  	_ =	shalt  }
0x73: {  	_ =	shalt  }
0x74: {  	_ =	shalt  }
0x75: {  	_ =	shalt  }
0x76: {  	_ =	shalt  }
0x77: {  	_ =	shalt  }
0x78: {  	_ =	shalt  }
0x79: {  	_ =	shalt  }
0x7a: {  	_ =	shalt  }
0x7b: {  	_ =	shalt  }
0x7c: {  	_ =	shalt  }
0x7d: {  	_ =	shalt  }
0x7e: {  	_ =	shalt  }
0x7f: {  	_ =	shalt  }
0x80: {  	_ =	shalt  }
0x81: {  	_ =	shalt  }
0x82: {  	_ =	shalt  }
0x83: {  	_ =	shalt  }
0x84: {  	_ =	shalt  }
0x85: {  	_ =	shalt  }
0x86: {  	_ =	shalt  }
0x87: {  	_ =	shalt  }
.Lfunc_end0:
.L_simem_size_0:
called_computation_lowered:
.L_overlay_start_0:
0x88: {  	s2 =	sld [smem:$0x3FD9]  }
0x89: {  	s3 =	sld [smem:$0x3FFE];
	_ =	sdelay $0x1  }
0x8a: {  	s1 =	srdreg.scid  }
0x8b: {  	s0 =	sand.u32 $0x1, s1  }
0x8c: {  	s17 =	sshll.u32 s0, $0xA;
	s2 =	sadd.s32 s3, s2  }
0x8d: {  	s2 =	sadd.s32 s2, s17  }
0x8e: {  	[smem:$0x3FC4] =	sst s2  }
0x8f: {  	_ = 	snop  }
0x90: {  	s2 =	sld [smem:$0x3FC9]  }
0x91: {  	s18 =	sld [smem:$0x3FD0];
	(tm) =	ssettm $0x1  }
0x92: {  	s4 =	sld [smem:$0x3FFB];
	_ =	sdelay $0x3  }
0x93: {  	_ =	strace s4  }
0x94: {  	s4 =	sld [smem:$0x3FFC];
	_ =	sdelay $0x3  }
0x95: {  	_ =	strace s4  }
0x96: {  	s4 =	sld [smem:$0x3FFD];
	_ =	sdelay $0x3  }
0x97: {  	_ =	strace s4  }
0x98: {  	_ =	strace $0x8FFFFFFF  }
0x99: {  	s19 =	sld [smem:$0x3FDB];
	_ =	sdelay $0x1  }
0x9a: {  	s5 =	simm.s32 $_scs_section_size  }
0x9b: {  	s6 =	simm.s32 $_size__tile_overlayer_lowered;
	s7 =	simm.s32 $_tile_overlayer_lowered  }
0x9c: {  	s22 =	simm.s32 $0x1BFF;
	s21 =	sshll.u32 s7, $0x1;
	s4 =	sadd.s32 s5, s19  }
0x9d: {  	s8 =	simm.s32 $0x0;
	s20 =	sshll.u32 s6, $0x1;
	s6 =	sadd.s32 s21, s4  }
0x9e: {  	[timem:s8], [sflag:s22] =	dma.local [hbm:s6], s20  }
0x9f: {  	_ =	swait.ge [sflag:s22], s20  }
0xa0: {  	s5 =	ssub.s32 $0x0, s20;
	[sflag:s22] =	ssyncset.done $0x0  }
0xa1: {  	[sflag:s22] =	ssyncadd.s32 s5;
	_ =	sdelay $0x1  }
0xa2: {  	s23 =	simm.s32 $0x1B8B  }
0xa3: {  	_ =	swait.ge [sflag:s23], $0x1  }
0xa4: {  	[sflag:s23] =	ssyncset.done $0x0  }
0xa5: {  	s25 =	simm.s32 $0x1B8E;
	s24 =	sld [smem:$0x3FFE];
	[sflag:s23] =	ssyncadd.s32 $0xFFFFFFFF  }
0xa6: {  	s26 =	simm.s32 $execute0_lowered;
	[smem:$0x3FD2] =	sst s25  }
0xa7: {  	s6 =	sshll.u32 s26, $0x1;
	_ =	strace $0x80000046;
	[dreg:$0x1] =	wrdreg $0xFFFFFFFF  }
0xa8: {  	s28 =	simm.s32 $_size_execute0_lowered;
	s4 =	sadd.s32 s4, s6;
	[dreg:$0x0] =	wrdreg $0x0  }
0xa9: {  	s6 =	sshll.u32 s28, $0x1;
	[dreg:$0x2] =	wrdreg s4  }
0xaa: {  	[dreg:$0x3] =	wrdreg s6  }
0xab: {  	[dreg:$0x4] =	wrdreg $0xC0  }
0xac: {  	_ =	task [dreg:s8], $0x5FFFF  }
0xad: {  	[dreg:$0x1] =	wrdreg $0xFFFFFFFF  }
0xae: {  	[dreg:$0x0] =	wrdreg $0x60  }
0xaf: {  	[dreg:$0x2] =	wrdreg s2  }
0xb0: {  	[dreg:$0x3] =	wrdreg s24  }
0xb1: {  	[dreg:$0x4] =	wrdreg s18  }
0xb2: {  	[dreg:$0x5] =	wrdreg $0xC800  }
0xb3: {  	[dreg:$0x6] =	wrdreg $0x9  }
0xb4: {  	_ =	task.clear_ibuf [dreg:s8], $0x7FFFF;
	_ =	strace $0x90000046  }
0xb5: {  	s29 =	simm.s32 $0x9;
	_ =	strace $0x80000048  }
0xb6: {  	_ =	swait.ge [sflag:s29], $0x1  }
0xb7: {  	[sflag:s29] =	ssyncadd.s32 $0xFFFFFFFF  }
0xb8: {  	_ =	strace $0x90000048  }
0xb9: {  	_ =	sfence  }
0xba: {  	s30 =	sld [smem:$0x0];
	_ =	sdelay $0x2  }
0xbb: {  	s31 =	sshll.u32 s1, $0xD;
	s1 =	sshrl.u32 s1, $0x2  }
0xbc: {  	s3 =	sand.u32 $0x4000, s31;
	s1 =	sadd.s32 s1, s30  }
0xbd: {  	s0 =	sor.u32 s3, s0;
	s1 =	sshll.u32 s1, $0x11  }
0xbe: {  	s0 =	sor.u32 s1, s0  }
0xbf: {  	s0 =	sadd.s32 $0x8F2B, s0  }
0xc0: {  	[sflag:s0] =	ssyncadd.remote.s32 $0x1  }
0xc1: {  	_ =	sfence.sel $0xFFFF  }
0xc2: {  	[dreg:$0x0] =	wrdreg $0xFFFFFFFF;
	(pc) =	sbr.abs _section_cstart, $3  }
0xc3: {  	[dreg:$0x1] =	wrdreg $0xFFFFFFFF  }
0xc4: {  	_ =	task.clear_ibuf [dreg:s8], $0x2FFFF;
	_ =	strace $0x9FFFFFFF  }
0xc5: {  	(tm) =	ssettm $0x7FFFFFFF  }
tec
execute0_lowered:
.L_overlay_start_1:
0x0: {  	(tag) =	ssettag $0x1  }
0x1: {  	s0 =	rddreg [dreg:$0x0]  }
0x2: {  	s3 =	rddreg [dreg:$0x1]  }
0x3: {  	s5 =	rddreg [dreg:$0x2];
	s2 =	srdreg.scid  }
0x4: {  	s7 =	stileid.u32;
	s1 =	rddreg [dreg:$0x3];
	s16 =	simm.s32 $0x80  }
0x5: {  	s17 =	simm.s32 $0x2080;
	s18 =	simm.s32 $0x1;
	s19 =	simm.s32 $0xB  }
0x6: {  	s28 =	simm.s32 $0x2;
	s29 =	simm.s32 $0x6080;
	s30 =	simm.s32 $0xA080  }
0x7: {  	s31 =	simm.s32 $0xE080;
	s12 =	simm.s32 $0x0;
	s9 =	sand.u32 $0x1, s2  }
0x8: {  	s4 =	sshll.u32 s7, $0x1;
	s2 =	simm.s32 $0x0;
	s21 =	sadd.s32 $0x183800, s5  }
0x9: {  	s3 =	sadd.s32 $0xE00, s3;
	s22 =	sadd.s32 $0x186800, s5;
	s23 =	smul.u32 $0x19000, s7  }
0xa: {  	s11 =	sadd.s32 $0x184000, s5;
	s24 =	sadd.s32 $0x184800, s5;
	[smem:$0x7FF] =	sst s2  }
0xb: {  	s25 =	sadd.s32 $0x185000, s5;
	_ =	strace $0x80000047;
	[dreg:$0x5] =	wrdreg s21  }
0xc: {  	s26 =	sadd.s32 $0x185800, s5;
	p0 =	sne.s32 s7, $0x0;
	[dreg:$0x6] =	wrdreg s22  }
0xd: {  	s7 =	simm.s32 $0x4;
	s10 =	sor.u32 s9, s4;
	[dreg:$0x7] =	wrdreg s11  }
0xe: {  	s6 =	ssub.s32 $0x2, s9;
	s9 =	smul.u32 $0xC800, s9;
	[dreg:$0x8] =	wrdreg s24  }
0xf: {  	s15 =	sshrl.u32 @!p0 s1, $0x3;
	s4 =	smul.u32 $0xC80, s10;
	[dreg:$0x9] =	wrdreg s25  }
0x10: {  	s8 =	sshrl.u32 s6, $0x1;
	[dreg:$0xa] =	wrdreg s26;
	p1 =	seq.s32 s10, $0x1F  }
0x11: {  	p2 =	sne.s32 s10, $0x1F;
	s24 =	simm.s32 $0x7;
	s25 =	simm.s32 $0x3  }
0x12: {  	s10 =	simm.s32 $0x5;
	s11 =	simm.s32 $0xA;
	s8 =	ssub.s32 s6, s8  }
.Ltmp0:
0x13: {  	s6 =	sadd.s32 $0x3070, s0;
	s4 =	sshrl.u32 s4, $0x3;
	(pc) =	sbr.rel .LBB2_1-.Ltmp0, $4  }
0x14: {  	s8 =	smax.u32 s8, $0x1;
	s4 =	sadd.s32 s0, s4;
	s0 =	sadd.s32 s23, s5  }
0x15: {  	s5 =	sadd.s32 $0x186000, s5;
	s23 =	simm.s32 $0x6;
	s0 =	sadd.s32 s9, s0  }
0x16: {  	[dreg:$0xb] =	wrdreg s5;
	s5 =	simm.s32 $0x8;
	s0 =	sadd.s32 $0x2000, s0  }
0x17: {  	s9 =	simm.s32 $0x9;
	[dreg:$0xc] =	wrdreg s0;
	s0 =	simm.s32 $0x12080  }
.LBB2_2:
0x18: {  	_ =	swait.ge [sflag:s18], $0x4000  }
0x19: {  	[sflag:s18] =	ssyncset.done $0x0  }
0x1a: {  	s13 =	rddreg [dreg:$0x5];
	[sflag:s18] =	ssyncadd.s32 $0xFFFFC000  }
0x1b: {  	[hbm4b:s13+s2] =	stream.linear.scatter [tilespmem:s17], [sflag:$0xB], $0x4000, $0x38;
	[tilespmem:$0x16080] =	vst v63  }
0x1c: {  	_ =	swait.ge [sflag:s19], $0x4000  }
0x1d: {  	[sflag:s19] =	ssyncset.done $0x0  }
0x1e: {  	[sflag:s19] =	ssyncadd.s32 $0xFFFFC000  }
0x1f: {  	[tilespmem:s17], [sflag:$0x1] =	stream.indirect.gather [spmem:s1], $0x80, s16, s16, $0xb8;
	[tilespmem:$0x16080] =	vst v63  }
0x20: {  	_ =	swait.ge [sflag:s18], $0x4000  }
0x21: {  	[sflag:s18] =	ssyncset.done $0x0  }
0x22: {  	s26 =	rddreg [dreg:$0x7];
	[sflag:s18] =	ssyncadd.s32 $0xFFFFC000  }
0x23: {  	[hbm4b:s26+s2] =	stream.linear.scatter [tilespmem:s17], [sflag:$0xB], $0x4000, $0x38;
	[tilespmem:$0x16080] =	vst v63  }
0x24: {  	_ =	swait.ge [sflag:s19], $0x4000  }
0x25: {  	[sflag:s19] =	ssyncset.done $0x0  }
0x26: {  	s14 =	simm.s32 $0x100;
	[sflag:s19] =	ssyncadd.s32 $0xFFFFC000  }
0x27: {  	[tilespmem:s17], [sflag:$0x1] =	stream.indirect.gather [spmem:s1], $0x80, s14, s16, $0xb8;
	[tilespmem:$0x16080] =	vst v63  }
0x28: {  	_ =	swait.ge [sflag:s18], $0x4000  }
0x29: {  	[sflag:s18] =	ssyncset.done $0x0  }
0x2a: {  	s20 =	rddreg [dreg:$0x8];
	[sflag:s18] =	ssyncadd.s32 $0xFFFFC000  }
0x2b: {  	[hbm4b:s20+s2] =	stream.linear.scatter [tilespmem:s17], [sflag:$0xB], $0x4000, $0x38;
	[tilespmem:$0x16080] =	vst v63  }
0x2c: {  	_ =	swait.ge [sflag:s19], $0x4000  }
0x2d: {  	[sflag:s19] =	ssyncset.done $0x0  }
0x2e: {  	s21 =	simm.s32 $0x180;
	[sflag:s19] =	ssyncadd.s32 $0xFFFFC000  }
0x2f: {  	[tilespmem:s17], [sflag:$0x1] =	stream.indirect.gather [spmem:s1], $0x80, s21, s16, $0xb8;
	[tilespmem:$0x16080] =	vst v63  }
0x30: {  	_ =	swait.ge [sflag:s18], $0x4000  }
0x31: {  	[sflag:s18] =	ssyncset.done $0x0  }
0x32: {  	s22 =	rddreg [dreg:$0x9];
	[sflag:s18] =	ssyncadd.s32 $0xFFFFC000  }
0x33: {  	[hbm4b:s22+s2] =	stream.linear.scatter [tilespmem:s17], [sflag:$0xB], $0x4000, $0x38;
	[tilespmem:$0x16080] =	vst v63  }
0x34: {  	_ =	swait.ge [sflag:s19], $0x4000  }
0x35: {  	[sflag:s19] =	ssyncset.done $0x0  }
0x36: {  	s26 =	simm.s32 $0x200;
	[sflag:s19] =	ssyncadd.s32 $0xFFFFC000  }
0x37: {  	[tilespmem:s17], [sflag:$0x1] =	stream.indirect.gather [spmem:s1], $0x80, s26, s16, $0xb8;
	[tilespmem:$0x16080] =	vst v63  }
0x38: {  	_ =	swait.ge [sflag:s18], $0x4000  }
0x39: {  	[sflag:s18] =	ssyncset.done $0x0  }
0x3a: {  	s14 =	rddreg [dreg:$0xa];
	[sflag:s18] =	ssyncadd.s32 $0xFFFFC000  }
0x3b: {  	[hbm4b:s14+s2] =	stream.linear.scatter [tilespmem:s17], [sflag:$0xB], $0x4000, $0x38;
	[tilespmem:$0x16080] =	vst v63  }
0x3c: {  	_ =	swait.ge [sflag:s19], $0x4000  }
0x3d: {  	[sflag:s19] =	ssyncset.done $0x0  }
0x3e: {  	s20 =	simm.s32 $0x280;
	[sflag:s19] =	ssyncadd.s32 $0xFFFFC000  }
0x3f: {  	[tilespmem:s17], [sflag:$0x1] =	stream.indirect.gather [spmem:s1], $0x80, s20, s16, $0xb8;
	[tilespmem:$0x16080] =	vst v63  }
0x40: {  	_ =	swait.ge [sflag:s18], $0x4000  }
0x41: {  	[sflag:s18] =	ssyncset.done $0x0  }
0x42: {  	s21 =	rddreg [dreg:$0xb];
	[sflag:s18] =	ssyncadd.s32 $0xFFFFC000  }
0x43: {  	[hbm4b:s21+s2] =	stream.linear.scatter [tilespmem:s17], [sflag:$0xB], $0x4000, $0x38;
	[tilespmem:$0x16080] =	vst v63  }
0x44: {  	_ =	swait.ge [sflag:s19], $0x4000  }
0x45: {  	s22 =	simm.s32 $0x20;
	[sflag:s19] =	ssyncset.done $0x0  }
0x46: {  	s14 =	simm.s32 $0x300;
	s20 =	simm.s32 $0x1080;
	[sflag:s19] =	ssyncadd.s32 $0xFFFFC000  }
0x47: {  	[tilespmem:s20], [sflag:$0x2] =	stream.indirect.gather [spmem:s1], $0x80, s14, s22, $0xb8;
	[tilespmem:$0x16080] =	vst v63  }
0x48: {  	_ =	swait.ge [sflag:s28], $0x1000  }
0x49: {  	[sflag:s28] =	ssyncset.done $0x0  }
0x4a: {  	s26 =	rddreg [dreg:$0x6];
	[sflag:s28] =	ssyncadd.s32 $0xFFFFF000  }
0x4b: {  	[hbm4b:s26+s2] =	stream.linear.scatter [tilespmem:s20], [sflag:$0xB], $0x1000, $0x38;
	[tilespmem:$0x16080] =	vst v63  }
0x4c: {  	_ =	swait.ge [sflag:s19], $0x1000  }
0x4d: {  	[sflag:s19] =	ssyncset.done $0x0  }
0x4e: {  	[sflag:s19] =	ssyncadd.s32 $0xFFFFF000  }
.LBB2_3:
0x4f: {  	s12 =	sadd.s32 $0x1, s12  }
0x50: {  	p3 =	sne.s32 s12, s8  }
.Ltmp1:
0x51: {  	_ = 	snop;
	(pc) =	sbr.rel @!p3 .LBB2_4-.Ltmp1, $1  }
0x52: {  	_ =	sdelay $0x3  }
.LBB2_1:
0x53: {  	s13 =	simm.s32 @p1 $0x0  }
0x54: {  	[tilespmem:s13], [sflag:$0xB] =	stream.linear.gather @p1 [hbm4b:s6+s13], $0x320, $0x38;
	[tilespmem:$0x16080] =	vst v63  }
0x55: {  	s13 =	simm.s32 @p1 $0xB  }
0x56: {  	_ =	swait.ge @p1 [sflag:s13], $0x320  }
0x57: {  	[sflag:s13] =	ssyncset.done @p1 $0x0  }
0x58: {  	[sflag:s13] =	ssyncadd.s32 @p1 $0xFFFFFCE0;
	s13 =	simm.s32 @!p1 $0x0  }
0x59: {  	[tilespmem:s13], [sflag:$0xB] =	stream.linear.gather @!p1 [hbm4b:s4+s13], $0xC80, $0x38;
	[tilespmem:$0x16080] =	vst v63  }
0x5a: {  	s13 =	simm.s32 @!p1 $0xB  }
0x5b: {  	_ =	swait.ge @!p1 [sflag:s13], $0xC80  }
0x5c: {  	[sflag:s13] =	ssyncset.done @!p1 $0x0  }
0x5d: {  	[sflag:s13] =	ssyncadd.s32 @!p1 $0xFFFFF380;
	s13 =	simm.s32 @!p0 $0x1C0B  }
0x5e: {  	[spmem:s15], [sflag:s13] =	dma.local @!p0 [hbm:s3], $0x800  }
0x5f: {  	s13 =	simm.s32 @!p0 $0xB  }
.Ltmp2:
0x60: {  	_ =	swait.ge @!p0 [sflag:s13], $0x800;
	(pc) =	sbr.rel @!p2 .LBB2_2-.Ltmp2, $4  }
0x61: {  	[sflag:s13] =	ssyncset.done @!p0 $0x0  }
0x62: {  	[sflag:s13] =	ssyncadd.s32 @!p0 $0xFFFFF800  }
0x63: {  	[bflag:$0x0] =	sbarrier.arrive $0xFFFF  }
0x64: {  	[tilespmem:s17], [sflag:$0x1] =	stream.indirect.gather [spmem:s1], $0x80, s2, s16, $0xb8;
	[tilespmem:$0x16080] =	vst v63  }
0x65: {  	[tilespmem:s29], [sflag:$0x2] =	stream.indirect.gather [spmem:s1], $0x80, s16, s16, $0xb8;
	[tilespmem:$0x16080] =	vst v63  }
0x66: {  	s13 =	simm.s32 $0x100  }
0x67: {  	[tilespmem:s30], [sflag:$0x3] =	stream.indirect.gather [spmem:s1], $0x80, s13, s16, $0xb8;
	[tilespmem:$0x16080] =	vst v63  }
0x68: {  	s22 =	simm.s32 $0x180  }
0x69: {  	[tilespmem:s31], [sflag:$0x4] =	stream.indirect.gather [spmem:s1], $0x80, s22, s16, $0xb8;
	[tilespmem:$0x16080] =	vst v63  }
0x6a: {  	s26 =	simm.s32 $0x200;
	s14 =	rddreg [dreg:$0xc];
	s13 =	simm.s32 $0x0  }
0x6b: {  	[tilespmem:s0], [sflag:$0x5] =	stream.indirect.gather [spmem:s1], $0x80, s26, s16, $0xb8;
	[tilespmem:$0x16080] =	vst v63  }
.LBB2_6:
0x6c: {  	_ =	swait.ge [sflag:s18], $0x4000  }
0x6d: {  	[sflag:s18] =	ssyncset.done $0x0  }
0x6e: {  	s20 =	sadd.s32 $0xFFFFE000, s14;
	[sflag:s18] =	ssyncadd.s32 $0xFFFFC000  }
0x6f: {  	[hbm4b:s20+s2] =	stream.linear.scatter [tilespmem:s17], [sflag:$0x6], $0x4000, $0x38;
	[tilespmem:$0x16080] =	vst v63  }
0x70: {  	p3 =	seq.s32 s13, $0x2800;
	_ =	swait.ge [sflag:s23], $0x4000  }
0x71: {  	s22 =	simm.s32 @!p3 $0x80;
	s20 =	sshra.s32 @!p3 s13, $0x2;
	[sflag:s23] =	ssyncset.done $0x0  }
0x72: {  	s26 =	simm.s32 @!p3 $0x2080;
	s21 =	sadd.s32 @!p3 $0x280, s20;
	[sflag:s23] =	ssyncadd.s32 $0xFFFFC000  }
0x73: {  	[tilespmem:s26], [sflag:$0x1] =	stream.indirect.gather @!p3 [spmem:s1], $0x80, s21, s22, $0xb8;
	[tilespmem:$0x16080] =	vst v63  }
0x74: {  	_ =	swait.ge [sflag:s28], $0x4000  }
0x75: {  	[sflag:s28] =	ssyncset.done $0x0  }
0x76: {  	s26 =	sadd.s32 $0xFFFFE800, s14;
	[sflag:s28] =	ssyncadd.s32 $0xFFFFC000  }
0x77: {  	[hbm4b:s26+s2] =	stream.linear.scatter [tilespmem:s29], [sflag:$0x7], $0x4000, $0x38;
	[tilespmem:$0x16080] =	vst v63  }
0x78: {  	_ =	swait.ge [sflag:s24], $0x4000  }
0x79: {  	[sflag:s24] =	ssyncset.done $0x0  }
0x7a: {  	s21 =	sadd.s32 @!p3 $0x300, s20;
	s26 =	simm.s32 @!p3 $0x6080;
	[sflag:s24] =	ssyncadd.s32 $0xFFFFC000  }
0x7b: {  	[tilespmem:s26], [sflag:$0x2] =	stream.indirect.gather @!p3 [spmem:s1], $0x80, s21, s22, $0xb8;
	[tilespmem:$0x16080] =	vst v63  }
0x7c: {  	_ =	swait.ge [sflag:s25], $0x4000  }
0x7d: {  	[sflag:s25] =	ssyncset.done $0x0  }
0x7e: {  	s26 =	sadd.s32 $0xFFFFF000, s14;
	[sflag:s25] =	ssyncadd.s32 $0xFFFFC000  }
0x7f: {  	[hbm4b:s26+s2] =	stream.linear.scatter [tilespmem:s30], [sflag:$0x8], $0x4000, $0x38;
	[tilespmem:$0x16080] =	vst v63  }
0x80: {  	_ =	swait.ge [sflag:s5], $0x4000  }
0x81: {  	[sflag:s5] =	ssyncset.done $0x0  }
0x82: {  	s21 =	sadd.s32 @!p3 $0x380, s20;
	s26 =	simm.s32 @!p3 $0xA080;
	[sflag:s5] =	ssyncadd.s32 $0xFFFFC000  }
0x83: {  	[tilespmem:s26], [sflag:$0x3] =	stream.indirect.gather @!p3 [spmem:s1], $0x80, s21, s22, $0xb8;
	[tilespmem:$0x16080] =	vst v63  }
0x84: {  	_ =	swait.ge [sflag:s7], $0x4000  }
0x85: {  	[sflag:s7] =	ssyncset.done $0x0  }
0x86: {  	s26 =	sadd.s32 $0xFFFFF800, s14;
	[sflag:s7] =	ssyncadd.s32 $0xFFFFC000  }
0x87: {  	[hbm4b:s26+s2] =	stream.linear.scatter [tilespmem:s31], [sflag:$0x9], $0x4000, $0x38;
	[tilespmem:$0x16080] =	vst v63  }
0x88: {  	_ =	swait.ge [sflag:s9], $0x4000  }
0x89: {  	[sflag:s9] =	ssyncset.done $0x0  }
0x8a: {  	s20 =	sadd.s32 @!p3 $0x400, s20;
	s21 =	simm.s32 @!p3 $0xE080;
	[sflag:s9] =	ssyncadd.s32 $0xFFFFC000  }
0x8b: {  	[tilespmem:s21], [sflag:$0x4] =	stream.indirect.gather @!p3 [spmem:s1], $0x80, s20, s22, $0xb8;
	[tilespmem:$0x16080] =	vst v63  }
0x8c: {  	_ =	swait.ge [sflag:s10], $0x4000  }
0x8d: {  	[sflag:s10] =	ssyncset.done $0x0  }
.Ltmp3:
0x8e: {  	[sflag:s10] =	ssyncadd.s32 $0xFFFFC000;
	(pc) =	sbr.rel @p3 .LBB2_3-.Ltmp3, $4  }
0x8f: {  	[hbm4b:s14+s2] =	stream.linear.scatter [tilespmem:s0], [sflag:$0xA], $0x4000, $0x38;
	[tilespmem:$0x16080] =	vst v63  }
0x90: {  	_ =	swait.ge [sflag:s11], $0x4000  }
0x91: {  	[sflag:s11] =	ssyncset.done $0x0  }
0x92: {  	[sflag:s11] =	ssyncadd.s32 $0xFFFFC000  }
.Ltmp4:
0x93: {  	(pc) =	sbr.rel .LBB2_6-.Ltmp4, $4  }
0x94: {  	_ = 	snop  }
0x95: {  	s20 =	sshra.s32 s13, $0x2  }
0x96: {  	s13 =	sadd.s32 $0xA00, s13;
	s14 =	sadd.s32 $0x2800, s14;
	s20 =	sadd.s32 $0x480, s20  }
0x97: {  	[tilespmem:s0], [sflag:$0x5] =	stream.indirect.gather [spmem:s1], $0x80, s20, s16, $0xb8;
	[tilespmem:$0x16080] =	vst v63  }
.LBB2_4:
0x98: {  	_ =	sfence.sel $0x180000  }
0x99: {  	[bflag:$0x0] =	sbarrier.arrive $0xFFFF  }
0x9a: {  	_ =	strace $0x90000047  }
0x9b: {  	[bflag:$0x2] =	sbarrier.arrive $0xFFFF  }
0x9c: {  	s0 =	rddreg [dreg:$0x4]  }
0x9d: {  	s0 =	sadd.s32 @!p0 $0x100000, s0  }
0x9e: {  	[sflag:s0] =	ssyncadd.tile.s32 @!p0 $0x1;
	_ =	shalt  }
.Lfunc_end2:
_tile_overlayer_lowered:
.L_overlay_start_2:
0x9f: {  	(tag) =	ssettag $0x2  }
0xa0: {  	s0 =	rddreg [dreg:$0x0];
	s2 =	stileid.u32  }
0xa1: {  	s1 =	rddreg [dreg:$0x1];
	p0 =	sne.s32 s2, $0x0  }
0xa2: {  	s3 =	rddreg [dreg:$0x2];
	[bflag:$0x3] =	sbarrier.arrive $0xFFFF;
	s2 =	simm.s32 @!p0 $0x1C0B  }
0xa3: {  	[timem:s3], [sflag:s2] =	dma.local @!p0 [hbm:s0], s1  }
0xa4: {  	s0 =	simm.s32 @!p0 $0xB  }
0xa5: {  	_ =	swait.ge @!p0 [sflag:s0], s1  }
0xa6: {  	s1 =	ssub.s32 @!p0 $0x0, s1;
	[sflag:s0] =	ssyncset.done @!p0 $0x0  }
0xa7: {  	[sflag:s0] =	ssyncadd.s32 @!p0 s1  }
0xa8: {  	[bflag:$0x3] =	sbarrier.arrive $0xFFFF  }
0xa9: {  	_ =	shalt  }

</sc_bundles>
